<compile_context>
chip_gen: v7x
topology: tpu7x:2x2x1
jax: 0.10.2.dev20260603
libtpu: 0.0.44.dev20260713+nightly
codegen_flags: <defaults>
</compile_context>

<pallas_src>
import jax
import jax.numpy as jnp
from jax.experimental import pallas as pl
from jax.experimental.pallas import tpu as pltpu
from jax.experimental.pallas import tpu_sc as plsc

B = 1024
D = 128
C = 2000
CP = 2048
K = 10
BB = 512
NBLK = B // BB
NCH = CP // 128

NTILES = 16
SPB = B // NTILES
RPT = C // NTILES

_DN_T = (((1,), (1,)), ((), ()))
_DN_ROW = (((1,), (0,)), ((), ()))
_BIG = jnp.iinfo(jnp.int32).max


def _fold_lanes(x, op):
    m = x[:, 0:128]
    for k in range(1, NCH):
        m = op(m, x[:, k * 128:(k + 1) * 128])
    return m


def _min_lanes(x):
    return jnp.min(_fold_lanes(x, jnp.minimum), axis=1, keepdims=True)


def _max_lanes(x):
    return jnp.max(_fold_lanes(x, jnp.maximum), axis=1, keepdims=True)


def _first_index_where(cond, iota):
    cand = None
    for k in range(NCH):
        sl = slice(k * 128, (k + 1) * 128)
        c = jnp.where(cond[:, sl], iota[:, sl], _BIG)
        cand = c if cand is None else jnp.minimum(cand, c)
    return jnp.min(cand, axis=1, keepdims=True)


def _act_body(data_ref, labels_ref, n_ref, mu_ref, s_ref, cl_ref,
              scores_ref, pred_ref, clusters_ref, j_ref, nnew_ref, winv_ref,
              iv_ref, muiv_ref, t3_ref, assign_ref, claug_ref, count_ref):
    i = pl.program_id(0)

    @pl.when(i == 0)
    def _init():
        var = s_ref[:] / jnp.maximum(n_ref[:], 1.0)[:, None] + 1e-6
        iv = 1.0 / var
        iv_ref[pl.ds(0, C), :] = iv
        iv_ref[pl.ds(C, CP - C), :] = jnp.full((CP - C, D), 1e6, jnp.float32)
        muiv_ref[pl.ds(0, C), :] = (2.0 * mu_ref[:]) * iv
        muiv_ref[pl.ds(C, CP - C), :] = jnp.zeros((CP - C, D), jnp.float32)
        t3_ref[:, pl.ds(0, C)] = jnp.sum(
            mu_ref[:] * mu_ref[:] * iv, axis=1)[None, :]
        t3_ref[:, pl.ds(C, CP - C)] = jnp.zeros((1, CP - C), jnp.float32)
        claug_ref[pl.ds(0, C), :] = cl_ref[:].astype(jnp.float32)
        claug_ref[pl.ds(C, CP - C), :] = jnp.zeros((CP - C, K), jnp.float32)
        cidx = jax.lax.broadcasted_iota(
            jnp.int32, (CP, K), 1).astype(jnp.float32)
        assign_ref[:] = jnp.sum(claug_ref[:] * cidx, axis=1)[None, :]
        assign_ref[:, pl.ds(C, CP - C)] = jnp.full((1, CP - C), -1.0,
                                                   jnp.float32)
        count_ref[:] = jnp.zeros_like(count_ref)

    @pl.when(i < NBLK)
    def _activation():
        b = i
        x = data_ref[:]
        t1 = jax.lax.dot_general(x * x, iv_ref[:], _DN_T,
                                 preferred_element_type=jnp.float32)
        t2 = jax.lax.dot_general(x, muiv_ref[:], _DN_T,
                                 preferred_element_type=jnp.float32)
        d2 = jnp.maximum(t1 - t2 + t3_ref[:], 0.0)
        dmin = _min_lanes(d2)
        g = jnp.exp(-0.5 * (d2 - dmin))

        iota = jax.lax.broadcasted_iota(jnp.int32, (BB, CP), 1)
        cc = _first_index_where(g == 1.0, iota)
        lab = labels_ref[:].astype(jnp.float32)
        gm = jnp.where(lab == assign_ref[:], g, 0.0)
        mg = _max_lanes(gm)
        jc = _first_index_where(gm == mg, iota)

        s = jnp.sum(_fold_lanes(g, jnp.add), axis=1, keepdims=True)
        gn = g / (s + 1e-12)
        scores = jax.lax.dot_general(gn, claug_ref[:], _DN_ROW,
                                     preferred_element_type=jnp.float32)
        m = jnp.max(scores, axis=1, keepdims=True)
        kidx = jax.lax.broadcasted_iota(jnp.int32, scores.shape, 1)
        pc = jnp.min(jnp.where(scores == m, kidx, _BIG), axis=1, keepdims=True)

        onehot = (jc == iota).astype(jnp.bfloat16)
        count_ref[:] += jax.lax.dot_general(
            jnp.ones((1, BB), jnp.bfloat16), onehot, _DN_ROW,
            preferred_element_type=jnp.float32)
        j_ref[pl.ds(b * BB, BB)] = jc[:, 0]
        scores_ref[pl.ds(b * BB, BB), :] = scores
        pred_ref[pl.ds(b * BB, BB)] = pc[:, 0]
        clusters_ref[pl.ds(b * BB, BB)] = cc[:, 0]

    @pl.when(i == NBLK)
    def _tail():
        nn = n_ref[:] + count_ref[0, pl.ds(0, C)]
        nnew_ref[:] = nn
        winv_ref[:] = jnp.broadcast_to((1.0 / nn)[:, None], (C, D))


def _activation_call(data, labels_col, n, mu, S_diag, cl):
    out_shapes = (
        jax.ShapeDtypeStruct((B, K), jnp.float32),
        jax.ShapeDtypeStruct((B,), jnp.int32),
        jax.ShapeDtypeStruct((B,), jnp.int32),
        jax.ShapeDtypeStruct((B,), jnp.int32),
        jax.ShapeDtypeStruct((C,), jnp.float32),
        jax.ShapeDtypeStruct((C, D), jnp.float32),
    )
    blk = lambda i: (jnp.minimum(i, NBLK - 1), 0)
    in_specs = [
        pl.BlockSpec((BB, D), blk),
        pl.BlockSpec((BB, 1), blk),
        pl.BlockSpec((C,), lambda i: (0,)),
        pl.BlockSpec((C, D), lambda i: (0, 0)),
        pl.BlockSpec((C, D), lambda i: (0, 0)),
        pl.BlockSpec((C, K), lambda i: (0, 0)),
    ]
    out_specs = (
        pl.BlockSpec((B, K), lambda i: (0, 0)),
        pl.BlockSpec((B,), lambda i: (0,)),
        pl.BlockSpec((B,), lambda i: (0,)),
        pl.BlockSpec((B,), lambda i: (0,)),
        pl.BlockSpec((C,), lambda i: (0,)),
        pl.BlockSpec((C, D), lambda i: (0, 0)),
    )
    scratch = [
        pltpu.VMEM((CP, D), jnp.float32),
        pltpu.VMEM((CP, D), jnp.float32),
        pltpu.VMEM((1, CP), jnp.float32),
        pltpu.VMEM((1, CP), jnp.float32),
        pltpu.VMEM((CP, K), jnp.float32),
        pltpu.VMEM((1, CP), jnp.float32),
    ]
    return pl.pallas_call(
        _act_body, grid=(NBLK + 1,), in_specs=in_specs, out_specs=out_specs,
        out_shape=out_shapes, scratch_shapes=scratch,
    )(data, labels_col, n, mu, S_diag, cl)


def _sc_update_body(data_hbm, j_hbm, winv_hbm, mu_hbm, s_hbm,
                    munew_hbm, snew_hbm,
                    idx_v, x_v, row_v, upd_v, w_v,
                    sem_t, sem_d, sem_r, sem_w, table_sh):
    cid = jax.lax.axis_index("c")
    sid = jax.lax.axis_index("s")
    tsl = pl.ds(jnp.minimum(sid * 128, C - 128), 128)
    bsl = pl.ds(sid * SPB, SPB)

    pltpu.sync_copy(j_hbm.at[bsl], idx_v)

    @pl.when(cid == 0)
    def _():
        tcopy = pltpu.async_copy(mu_hbm.at[tsl], table_sh.at[tsl], sem_t)
        dcopy = pltpu.async_copy(data_hbm.at[bsl], x_v, sem_d)
        rcopy = pltpu.async_copy(mu_hbm.at[idx_v], row_v, sem_r)
        wcopy = pltpu.async_copy(winv_hbm.at[idx_v], w_v, sem_w)
        dcopy.wait()
        rcopy.wait()
        wcopy.wait()

        def rbody(r, carry):
            w16 = w_v[r, pl.ds(0, 16)]
            for k in range(D // 16):
                csl = pl.ds(k * 16, 16)
                upd_v[r, csl] = (x_v[r, csl] - row_v[r, csl]) * w16
            return carry

        jax.lax.fori_loop(0, SPB, rbody, 0)
        tcopy.wait()

    @pl.when(cid == 1)
    def _():
        tcopy = pltpu.async_copy(s_hbm.at[tsl], table_sh.at[tsl], sem_t)
        dcopy = pltpu.async_copy(data_hbm.at[bsl], x_v, sem_d)
        rcopy = pltpu.async_copy(mu_hbm.at[idx_v], row_v, sem_r)
        dcopy.wait()
        rcopy.wait()

        def rbody(r, carry):
            for k in range(D // 16):
                csl = pl.ds(k * 16, 16)
                e16 = x_v[r, csl] - row_v[r, csl]
                upd_v[r, csl] = e16 * e16
            return carry

        jax.lax.fori_loop(0, SPB, rbody, 0)
        tcopy.wait()

    plsc.subcore_barrier()
    pltpu.sync_copy(upd_v, table_sh.at[idx_v], add=True)
    plsc.subcore_barrier()

    @pl.when(cid == 0)
    def _():
        pltpu.sync_copy(table_sh.at[tsl], munew_hbm.at[tsl])

    @pl.when(cid == 1)
    def _():
        pltpu.sync_copy(table_sh.at[tsl], snew_hbm.at[tsl])


def _update_call(data, j, winv, mu, S_diag):
    mesh = plsc.VectorSubcoreMesh(core_axis_name="c", subcore_axis_name="s")
    kern = pl.kernel(
        _sc_update_body,
        out_type=[
            jax.ShapeDtypeStruct((C, D), jnp.float32),
            jax.ShapeDtypeStruct((C, D), jnp.float32),
        ],
        mesh=mesh,
        scratch_types=[
            pltpu.VMEM((SPB,), jnp.int32),
            pltpu.VMEM((SPB, D), jnp.float32),
            pltpu.VMEM((SPB, D), jnp.float32),
            pltpu.VMEM((SPB, D), jnp.float32),
            pltpu.VMEM((SPB, D), jnp.float32),
            pltpu.SemaphoreType.DMA,
            pltpu.SemaphoreType.DMA,
            pltpu.SemaphoreType.DMA,
            pltpu.SemaphoreType.DMA,
            pltpu.VMEM_SHARED((C, D), jnp.float32),
        ],
    )
    return kern(data, j, winv, mu, S_diag)


def kernel(data, labels, n, mu, S_diag, cluster_labels):
    labels_col = labels[:, None]
    scores, pred, clusters, j, n_new, winv = _activation_call(
        data, labels_col, n, mu, S_diag, cluster_labels)
    mu_new, S_new = _update_call(data, j, winv, mu, S_diag)
    return (scores, pred, clusters, n_new, mu_new, S_new)

# --- scband reference (transcript-rebuilt; emitter-appended) ---
"""Pipeline reference for scband-e-gaussp-62173946577545 (READ-ONLY COPY).

The authoritative reference and input builder live on the scoring server;
editing this copy changes nothing except your own understanding.
"""

import jax, jax.numpy as jnp
import numpy as np

FEATURE_DIM = 128
NUM_CLASSES = 10
C_MAX = 1000
CAPACITY = 2 * C_MAX
KAPPA_N = 10
NUM_SIGMA = 3.0
S0 = 1.0
BATCH = 1024


def setup_inputs(seed: int = 0) -> dict:
    key = jax.random.key(seed)
    k1, k2, k3, k4, k5, k6 = jax.random.split(key, 6)
    data = jax.random.normal(k1, (BATCH, FEATURE_DIM), dtype=jnp.float32)
    labels = jax.random.randint(k2, (BATCH,), 0, NUM_CLASSES, dtype=jnp.int32)
    # learned / state parameters of the eGAUSSp cluster memory
    n = jax.random.uniform(k3, (CAPACITY,), minval=float(KAPPA_N), maxval=100.0, dtype=jnp.float32)
    mu = jax.random.normal(k4, (CAPACITY, FEATURE_DIM), dtype=jnp.float32)
    S_diag = jax.random.uniform(k5, (CAPACITY, FEATURE_DIM), minval=0.5, maxval=2.0, dtype=jnp.float32) * n[:, None]
    assign = jax.random.randint(k6, (CAPACITY,), 0, NUM_CLASSES, dtype=jnp.int32)
    cluster_labels = jax.nn.one_hot(assign, NUM_CLASSES, dtype=jnp.int32)
    return {"data": data, "labels": labels, "n": n, "mu": mu, "S_diag": S_diag, "cluster_labels": cluster_labels}


def _activation(data, n, mu, S_diag):
    # Gaussian activation with (diagonal) covariance S/n, computed via expanded quadratic
    # form to avoid materializing a [B, C, D] broadcast.
    var = S_diag / jnp.maximum(n, 1.0)[:, None] + 1e-6
    inv_var = 1.0 / var
    term1 = (data * data) @ inv_var.T
    term2 = data @ (mu * inv_var).T
    term3 = jnp.sum(mu * mu * inv_var, axis=1)[None, :]
    d2 = jnp.maximum(term1 - 2.0 * term2 + term3, 0.0)
    g = jnp.exp(-0.5 * (d2 - jnp.min(d2, axis=1, keepdims=True)))
    return g, d2


def reference(data, labels, n, mu, S_diag, cluster_labels):
    g, d2 = _activation(data, n, mu, S_diag)
    onehot_f = cluster_labels.astype(jnp.float32)
    # matching clusters: those whose label matches the sample label (training path)
    mask = jnp.take(onehot_f, labels, axis=1).T  # [B, C]
    g_masked = g * mask
    j = jnp.argmax(g_masked, axis=1)  # winning cluster per sample
    # evolving step (no_grad in original): scatter-add updates of the cluster memory
    n_new = n.at[j].add(1.0)
    e = data - jnp.take(mu, j, axis=0)
    w = 1.0 / jnp.take(n_new, j, axis=0)
    mu_new = mu.at[j].add(e * w[:, None])
    S_new = S_diag.at[j].add(e * e)
    # defuzzify: normalized activations weighted by cluster->class one-hot labels
    gn = g / (jnp.sum(g, axis=1, keepdims=True) + 1e-12)
    scores = gn @ onehot_f  # [B, num_classes]
    pred = jnp.argmax(scores, axis=1)
    clusters = jnp.argmax(g, axis=1)
    return scores, pred, clusters, n_new, mu_new, S_new

if __name__ == "__main__":
    import jax
    _d = setup_inputs()
    print(jax.jit(kernel)(*tuple(_d.values())))

</pallas_src>

<mosaic_0001>
#map = affine_map<(d0, d1) -> (0, 0)>
#map1 = affine_map<(d0, d1) -> (0)>
module attributes {stable_mosaic.version = 14 : i64} {
  func.func @_sc_update_body(%arg0: i32, %arg1: i32, %arg2: memref<1024x128xf32, #tpu.memory_space<hbm>>, %arg3: memref<1024xi32, #tpu.memory_space<hbm>>, %arg4: memref<2000x128xf32, #tpu.memory_space<hbm>>, %arg5: memref<2000x128xf32, #tpu.memory_space<hbm>>, %arg6: memref<2000x128xf32, #tpu.memory_space<hbm>>, %arg7: memref<2000x128xf32, #tpu.memory_space<hbm>>, %arg8: memref<2000x128xf32, #tpu.memory_space<hbm>>, %arg9: memref<64xi32, #tpu.memory_space<vmem>>, %arg10: memref<64x128xf32, #tpu.memory_space<vmem>>, %arg11: memref<64x128xf32, #tpu.memory_space<vmem>>, %arg12: memref<64x128xf32, #tpu.memory_space<vmem>>, %arg13: memref<64x128xf32, #tpu.memory_space<vmem>>, %arg14: memref<!tpu.dma_semaphore, #tpu.memory_space<semaphore_mem>>, %arg15: memref<!tpu.dma_semaphore, #tpu.memory_space<semaphore_mem>>, %arg16: memref<!tpu.dma_semaphore, #tpu.memory_space<semaphore_mem>>, %arg17: memref<!tpu.dma_semaphore, #tpu.memory_space<semaphore_mem>>, %arg18: memref<2000x128xf32, #tpu.memory_space<vmem_shared>>) attributes {dimension_semantics = [#tpu.dimension_semantics<core_parallel>, #tpu.dimension_semantics<subcore_parallel>], iteration_bounds = array<i64: 2, 16>, scalar_prefetch = 0 : i64, scratch_operands = 10 : i64, tpu.core_type = #tpu.core_type<sc_vector_subcore>, window_params = [{transform_indices = #map}, {transform_indices = #map1}, {transform_indices = #map}, {transform_indices = #map}, {transform_indices = #map}, {transform_indices = #map}, {transform_indices = #map}]} {
    %mul3A = arith.constant 128 : i32
    %mul3A_0 = arith.muli %arg1, %mul3A : i32
    %min3A = arith.constant 1872 : i32
    %min3A_1 = arith.minsi %mul3A_0, %min3A : i32
    %mul3A_2 = arith.constant 64 : i32
    %mul3A_3 = arith.muli %arg1, %mul3A_2 : i32
    "tpu.region"() ({
      %run_scoped3A = tpu.sem_alloc : memref<!tpu.dma_semaphore, #tpu.memory_space<semaphore_mem>>
      %dma_start3A = tpu.memref_slice %arg3[%mul3A_3] : memref<1024xi32, #tpu.memory_space<hbm>> -> memref<64xi32, #tpu.memory_space<hbm>>
      %dma_start3A_22 = tpu.memref_slice %arg3[%mul3A_3] : memref<1024xi32, #tpu.memory_space<hbm>> -> memref<64xi32, #tpu.memory_space<hbm>>
      tpu.enqueue_dma source(%dma_start3A_22 : memref<64xi32, #tpu.memory_space<hbm>>) target(%arg9 : memref<64xi32, #tpu.memory_space<vmem>>) target_semaphore(%run_scoped3A : memref<!tpu.dma_semaphore, #tpu.memory_space<semaphore_mem>>)
      %dma_wait3A = tpu.memref_slice %arg3[%mul3A_3] : memref<1024xi32, #tpu.memory_space<hbm>> -> memref<64xi32, #tpu.memory_space<hbm>>
      %dma_wait3A_23 = tpu.memref_slice %arg3[%mul3A_3] : memref<1024xi32, #tpu.memory_space<hbm>> -> memref<64xi32, #tpu.memory_space<hbm>>
      tpu.wait_dma2 semaphore(%run_scoped3A : memref<!tpu.dma_semaphore, #tpu.memory_space<semaphore_mem>>) src(%dma_wait3A_23 : memref<64xi32, #tpu.memory_space<hbm>>) dst(%arg9 : memref<64xi32, #tpu.memory_space<vmem>>)
      tpu.yield
    }) : () -> ()
    %eq3A = arith.constant 0 : i32
    %eq3A_4 = arith.cmpi eq, %arg0, %eq3A : i32
    %convert_element_type3A = arith.extui %eq3A_4 : i1 to i32
    %cond3A = arith.constant 0 : i32
    %cond3A_5 = arith.cmpi ne, %convert_element_type3A, %cond3A : i32
    scf.if %cond3A_5 {
      %dma_start3A = arith.constant 0 : i32
      %dma_start3A_22 = tpu.memref_slice %arg18[%min3A_1, %dma_start3A] : memref<2000x128xf32, #tpu.memory_space<vmem_shared>> -> memref<128x128xf32, #tpu.memory_space<vmem_shared>>
      %dma_start3A_23 = arith.constant 0 : i32
      %dma_start3A_24 = tpu.memref_slice %arg5[%min3A_1, %dma_start3A_23] : memref<2000x128xf32, #tpu.memory_space<hbm>> -> memref<128x128xf32, #tpu.memory_space<hbm>>
      tpu.enqueue_dma source(%dma_start3A_24 : memref<128x128xf32, #tpu.memory_space<hbm>>) target(%dma_start3A_22 : memref<128x128xf32, #tpu.memory_space<vmem_shared>>) target_semaphore(%arg14 : memref<!tpu.dma_semaphore, #tpu.memory_space<semaphore_mem>>)
      %dma_start3A_25 = arith.constant 0 : i32
      %dma_start3A_26 = tpu.memref_slice %arg2[%mul3A_3, %dma_start3A_25] : memref<1024x128xf32, #tpu.memory_space<hbm>> -> memref<64x128xf32, #tpu.memory_space<hbm>>
      %dma_start3A_27 = arith.constant 0 : i32
      %dma_start3A_28 = tpu.memref_slice %arg2[%mul3A_3, %dma_start3A_27] : memref<1024x128xf32, #tpu.memory_space<hbm>> -> memref<64x128xf32, #tpu.memory_space<hbm>>
      tpu.enqueue_dma source(%dma_start3A_28 : memref<64x128xf32, #tpu.memory_space<hbm>>) target(%arg10 : memref<64x128xf32, #tpu.memory_space<vmem>>) target_semaphore(%arg15 : memref<!tpu.dma_semaphore, #tpu.memory_space<semaphore_mem>>)
      %dma_start3A_29 = arith.constant 0 : i32
      %dma_start3A_30 = arith.constant 0 : i32
      %dma_start3A_31 = tpu.memref_slice %arg5[%dma_start3A_29, %dma_start3A_30] : memref<2000x128xf32, #tpu.memory_space<hbm>> -> memref<2000x128xf32, #tpu.memory_space<hbm>>
      tpu.enqueue_indirect_dma source(%dma_start3A_31 : memref<2000x128xf32, #tpu.memory_space<hbm>>) target(%arg11 : memref<64x128xf32, #tpu.memory_space<vmem>>) offsets(%arg9 : memref<64xi32, #tpu.memory_space<vmem>>) semaphore(%arg16 : memref<!tpu.dma_semaphore, #tpu.memory_space<semaphore_mem>>)
      %dma_start3A_32 = arith.constant 0 : i32
      %dma_start3A_33 = arith.constant 0 : i32
      %dma_start3A_34 = tpu.memref_slice %arg4[%dma_start3A_32, %dma_start3A_33] : memref<2000x128xf32, #tpu.memory_space<hbm>> -> memref<2000x128xf32, #tpu.memory_space<hbm>>
      tpu.enqueue_indirect_dma source(%dma_start3A_34 : memref<2000x128xf32, #tpu.memory_space<hbm>>) target(%arg13 : memref<64x128xf32, #tpu.memory_space<vmem>>) offsets(%arg9 : memref<64xi32, #tpu.memory_space<vmem>>) semaphore(%arg17 : memref<!tpu.dma_semaphore, #tpu.memory_space<semaphore_mem>>)
      %dma_wait3A = arith.constant 0 : i32
      %dma_wait3A_35 = tpu.memref_slice %arg2[%mul3A_3, %dma_wait3A] : memref<1024x128xf32, #tpu.memory_space<hbm>> -> memref<64x128xf32, #tpu.memory_space<hbm>>
      %dma_wait3A_36 = arith.constant 0 : i32
      %dma_wait3A_37 = tpu.memref_slice %arg2[%mul3A_3, %dma_wait3A_36] : memref<1024x128xf32, #tpu.memory_space<hbm>> -> memref<64x128xf32, #tpu.memory_space<hbm>>
      tpu.wait_dma2 semaphore(%arg15 : memref<!tpu.dma_semaphore, #tpu.memory_space<semaphore_mem>>) src(%dma_wait3A_37 : memref<64x128xf32, #tpu.memory_space<hbm>>) dst(%arg10 : memref<64x128xf32, #tpu.memory_space<vmem>>)
      %dma_wait3A_38 = arith.constant 0 : i32
      %dma_wait3A_39 = arith.constant 0 : i32
      %dma_wait3A_40 = tpu.memref_slice %arg5[%dma_wait3A_38, %dma_wait3A_39] : memref<2000x128xf32, #tpu.memory_space<hbm>> -> memref<2000x128xf32, #tpu.memory_space<hbm>>
      tpu.wait_indirect_dma semaphore(%arg16 : memref<!tpu.dma_semaphore, #tpu.memory_space<semaphore_mem>>) src(%dma_wait3A_40 : memref<2000x128xf32, #tpu.memory_space<hbm>>) dst(%arg11 : memref<64x128xf32, #tpu.memory_space<vmem>>)
      %dma_wait3A_41 = arith.constant 0 : i32
      %dma_wait3A_42 = arith.constant 0 : i32
      %dma_wait3A_43 = tpu.memref_slice %arg4[%dma_wait3A_41, %dma_wait3A_42] : memref<2000x128xf32, #tpu.memory_space<hbm>> -> memref<2000x128xf32, #tpu.memory_space<hbm>>
      tpu.wait_indirect_dma semaphore(%arg17 : memref<!tpu.dma_semaphore, #tpu.memory_space<semaphore_mem>>) src(%dma_wait3A_43 : memref<2000x128xf32, #tpu.memory_space<hbm>>) dst(%arg13 : memref<64x128xf32, #tpu.memory_space<vmem>>)
      %scan3A = arith.constant 0 : i32
      %scan3A_44 = arith.constant 0 : i32
      %scan3A_45 = arith.constant 64 : i32
      %scan3A_46 = arith.addi %scan3A_44, %scan3A_45 : i32
      %scan3A_47 = arith.constant 1 : i32
      scf.for %scan3A_53 = %scan3A_44 to %scan3A_46 step %scan3A_47  : i32 {
        %get3A = arith.index_cast %scan3A_53 : i32 to index
        %get3A_54 = arith.constant 0 : index
        %get3A_55 = tpu.vector_load %arg13[%get3A, %get3A_54] {strides = array<i32>} : memref<64x128xf32, #tpu.memory_space<vmem>>, vector<1x16xf32>,
        %get3A_56 = vector.shape_cast %get3A_55 : vector<1x16xf32> to vector<16xf32>
        %get3A_57 = arith.index_cast %scan3A_53 : i32 to index
        %get3A_58 = arith.constant 0 : index
        %get3A_59 = tpu.vector_load %arg10[%get3A_57, %get3A_58] {strides = array<i32>} : memref<64x128xf32, #tpu.memory_space<vmem>>, vector<1x16xf32>,
        %get3A_60 = vector.shape_cast %get3A_59 : vector<1x16xf32> to vector<16xf32>
        %get3A_61 = arith.index_cast %scan3A_53 : i32 to index
        %get3A_62 = arith.constant 0 : index
        %get3A_63 = tpu.vector_load %arg11[%get3A_61, %get3A_62] {strides = array<i32>} : memref<64x128xf32, #tpu.memory_space<vmem>>, vector<1x16xf32>,
        %get3A_64 = vector.shape_cast %get3A_63 : vector<1x16xf32> to vector<16xf32>
        %sub3A = arith.subf %get3A_60, %get3A_64 : vector<16xf32>
        %mul3A_65 = arith.mulf %sub3A, %get3A_56 : vector<16xf32>
        %swap3A = arith.index_cast %scan3A_53 : i32 to index
        %swap3A_66 = arith.constant 0 : index
        %swap3A_67 = tpu.vector_load %arg12[%swap3A, %swap3A_66] {strides = array<i32>} : memref<64x128xf32, #tpu.memory_space<vmem>>, vector<1x16xf32>,
        %swap3A_68 = vector.shape_cast %swap3A_67 : vector<1x16xf32> to vector<16xf32>
        %swap3A_69 = vector.shape_cast %mul3A_65 : vector<16xf32> to vector<1x16xf32>
        tpu.vector_store %arg12[%swap3A, %swap3A_66], %swap3A_69 {strides = array<i32>} : memref<64x128xf32, #tpu.memory_space<vmem>>, vector<1x16xf32>,
        %get3A_70 = arith.index_cast %scan3A_53 : i32 to index
        %get3A_71 = arith.constant 16 : index
        %get3A_72 = tpu.vector_load %arg10[%get3A_70, %get3A_71] {strides = array<i32>} : memref<64x128xf32, #tpu.memory_space<vmem>>, vector<1x16xf32>,
        %get3A_73 = vector.shape_cast %get3A_72 : vector<1x16xf32> to vector<16xf32>
        %get3A_74 = arith.index_cast %scan3A_53 : i32 to index
        %get3A_75 = arith.constant 16 : index
        %get3A_76 = tpu.vector_load %arg11[%get3A_74, %get3A_75] {strides = array<i32>} : memref<64x128xf32, #tpu.memory_space<vmem>>, vector<1x16xf32>,
        %get3A_77 = vector.shape_cast %get3A_76 : vector<1x16xf32> to vector<16xf32>
        %sub3A_78 = arith.subf %get3A_73, %get3A_77 : vector<16xf32>
        %mul3A_79 = arith.mulf %sub3A_78, %get3A_56 : vector<16xf32>
        %swap3A_80 = arith.index_cast %scan3A_53 : i32 to index
        %swap3A_81 = arith.constant 16 : index
        %swap3A_82 = tpu.vector_load %arg12[%swap3A_80, %swap3A_81] {strides = array<i32>} : memref<64x128xf32, #tpu.memory_space<vmem>>, vector<1x16xf32>,
        %swap3A_83 = vector.shape_cast %swap3A_82 : vector<1x16xf32> to vector<16xf32>
        %swap3A_84 = vector.shape_cast %mul3A_79 : vector<16xf32> to vector<1x16xf32>
        tpu.vector_store %arg12[%swap3A_80, %swap3A_81], %swap3A_84 {strides = array<i32>} : memref<64x128xf32, #tpu.memory_space<vmem>>, vector<1x16xf32>,
        %get3A_85 = arith.index_cast %scan3A_53 : i32 to index
        %get3A_86 = arith.constant 32 : index
        %get3A_87 = tpu.vector_load %arg10[%get3A_85, %get3A_86] {strides = array<i32>} : memref<64x128xf32, #tpu.memory_space<vmem>>, vector<1x16xf32>,
        %get3A_88 = vector.shape_cast %get3A_87 : vector<1x16xf32> to vector<16xf32>
        %get3A_89 = arith.index_cast %scan3A_53 : i32 to index
        %get3A_90 = arith.constant 32 : index
        %get3A_91 = tpu.vector_load %arg11[%get3A_89, %get3A_90] {strides = array<i32>} : memref<64x128xf32, #tpu.memory_space<vmem>>, vector<1x16xf32>,
        %get3A_92 = vector.shape_cast %get3A_91 : vector<1x16xf32> to vector<16xf32>
        %sub3A_93 = arith.subf %get3A_88, %get3A_92 : vector<16xf32>
        %mul3A_94 = arith.mulf %sub3A_93, %get3A_56 : vector<16xf32>
        %swap3A_95 = arith.index_cast %scan3A_53 : i32 to index
        %swap3A_96 = arith.constant 32 : index
        %swap3A_97 = tpu.vector_load %arg12[%swap3A_95, %swap3A_96] {strides = array<i32>} : memref<64x128xf32, #tpu.memory_space<vmem>>, vector<1x16xf32>,
        %swap3A_98 = vector.shape_cast %swap3A_97 : vector<1x16xf32> to vector<16xf32>
        %swap3A_99 = vector.shape_cast %mul3A_94 : vector<16xf32> to vector<1x16xf32>
        tpu.vector_store %arg12[%swap3A_95, %swap3A_96], %swap3A_99 {strides = array<i32>} : memref<64x128xf32, #tpu.memory_space<vmem>>, vector<1x16xf32>,
        %get3A_100 = arith.index_cast %scan3A_53 : i32 to index
        %get3A_101 = arith.constant 48 : index
        %get3A_102 = tpu.vector_load %arg10[%get3A_100, %get3A_101] {strides = array<i32>} : memref<64x128xf32, #tpu.memory_space<vmem>>, vector<1x16xf32>,
        %get3A_103 = vector.shape_cast %get3A_102 : vector<1x16xf32> to vector<16xf32>
        %get3A_104 = arith.index_cast %scan3A_53 : i32 to index
        %get3A_105 = arith.constant 48 : index
        %get3A_106 = tpu.vector_load %arg11[%get3A_104, %get3A_105] {strides = array<i32>} : memref<64x128xf32, #tpu.memory_space<vmem>>, vector<1x16xf32>,
        %get3A_107 = vector.shape_cast %get3A_106 : vector<1x16xf32> to vector<16xf32>
        %sub3A_108 = arith.subf %get3A_103, %get3A_107 : vector<16xf32>
        %mul3A_109 = arith.mulf %sub3A_108, %get3A_56 : vector<16xf32>
        %swap3A_110 = arith.index_cast %scan3A_53 : i32 to index
        %swap3A_111 = arith.constant 48 : index
        %swap3A_112 = tpu.vector_load %arg12[%swap3A_110, %swap3A_111] {strides = array<i32>} : memref<64x128xf32, #tpu.memory_space<vmem>>, vector<1x16xf32>,
        %swap3A_113 = vector.shape_cast %swap3A_112 : vector<1x16xf32> to vector<16xf32>
        %swap3A_114 = vector.shape_cast %mul3A_109 : vector<16xf32> to vector<1x16xf32>
        tpu.vector_store %arg12[%swap3A_110, %swap3A_111], %swap3A_114 {strides = array<i32>} : memref<64x128xf32, #tpu.memory_space<vmem>>, vector<1x16xf32>,
        %get3A_115 = arith.index_cast %scan3A_53 : i32 to index
        %get3A_116 = arith.constant 64 : index
        %get3A_117 = tpu.vector_load %arg10[%get3A_115, %get3A_116] {strides = array<i32>} : memref<64x128xf32, #tpu.memory_space<vmem>>, vector<1x16xf32>,
        %get3A_118 = vector.shape_cast %get3A_117 : vector<1x16xf32> to vector<16xf32>
        %get3A_119 = arith.index_cast %scan3A_53 : i32 to index
        %get3A_120 = arith.constant 64 : index
        %get3A_121 = tpu.vector_load %arg11[%get3A_119, %get3A_120] {strides = array<i32>} : memref<64x128xf32, #tpu.memory_space<vmem>>, vector<1x16xf32>,
        %get3A_122 = vector.shape_cast %get3A_121 : vector<1x16xf32> to vector<16xf32>
        %sub3A_123 = arith.subf %get3A_118, %get3A_122 : vector<16xf32>
        %mul3A_124 = arith.mulf %sub3A_123, %get3A_56 : vector<16xf32>
        %swap3A_125 = arith.index_cast %scan3A_53 : i32 to index
        %swap3A_126 = arith.constant 64 : index
        %swap3A_127 = tpu.vector_load %arg12[%swap3A_125, %swap3A_126] {strides = array<i32>} : memref<64x128xf32, #tpu.memory_space<vmem>>, vector<1x16xf32>,
        %swap3A_128 = vector.shape_cast %swap3A_127 : vector<1x16xf32> to vector<16xf32>
        %swap3A_129 = vector.shape_cast %mul3A_124 : vector<16xf32> to vector<1x16xf32>
        tpu.vector_store %arg12[%swap3A_125, %swap3A_126], %swap3A_129 {strides = array<i32>} : memref<64x128xf32, #tpu.memory_space<vmem>>, vector<1x16xf32>,
        %get3A_130 = arith.index_cast %scan3A_53 : i32 to index
        %get3A_131 = arith.constant 80 : index
        %get3A_132 = tpu.vector_load %arg10[%get3A_130, %get3A_131] {strides = array<i32>} : memref<64x128xf32, #tpu.memory_space<vmem>>, vector<1x16xf32>,
        %get3A_133 = vector.shape_cast %get3A_132 : vector<1x16xf32> to vector<16xf32>
        %get3A_134 = arith.index_cast %scan3A_53 : i32 to index
        %get3A_135 = arith.constant 80 : index
        %get3A_136 = tpu.vector_load %arg11[%get3A_134, %get3A_135] {strides = array<i32>} : memref<64x128xf32, #tpu.memory_space<vmem>>, vector<1x16xf32>,
        %get3A_137 = vector.shape_cast %get3A_136 : vector<1x16xf32> to vector<16xf32>
        %sub3A_138 = arith.subf %get3A_133, %get3A_137 : vector<16xf32>
        %mul3A_139 = arith.mulf %sub3A_138, %get3A_56 : vector<16xf32>
        %swap3A_140 = arith.index_cast %scan3A_53 : i32 to index
        %swap3A_141 = arith.constant 80 : index
        %swap3A_142 = tpu.vector_load %arg12[%swap3A_140, %swap3A_141] {strides = array<i32>} : memref<64x128xf32, #tpu.memory_space<vmem>>, vector<1x16xf32>,
        %swap3A_143 = vector.shape_cast %swap3A_142 : vector<1x16xf32> to vector<16xf32>
        %swap3A_144 = vector.shape_cast %mul3A_139 : vector<16xf32> to vector<1x16xf32>
        tpu.vector_store %arg12[%swap3A_140, %swap3A_141], %swap3A_144 {strides = array<i32>} : memref<64x128xf32, #tpu.memory_space<vmem>>, vector<1x16xf32>,
        %get3A_145 = arith.index_cast %scan3A_53 : i32 to index
        %get3A_146 = arith.constant 96 : index
        %get3A_147 = tpu.vector_load %arg10[%get3A_145, %get3A_146] {strides = array<i32>} : memref<64x128xf32, #tpu.memory_space<vmem>>, vector<1x16xf32>,
        %get3A_148 = vector.shape_cast %get3A_147 : vector<1x16xf32> to vector<16xf32>
        %get3A_149 = arith.index_cast %scan3A_53 : i32 to index
        %get3A_150 = arith.constant 96 : index
        %get3A_151 = tpu.vector_load %arg11[%get3A_149, %get3A_150] {strides = array<i32>} : memref<64x128xf32, #tpu.memory_space<vmem>>, vector<1x16xf32>,
        %get3A_152 = vector.shape_cast %get3A_151 : vector<1x16xf32> to vector<16xf32>
        %sub3A_153 = arith.subf %get3A_148, %get3A_152 : vector<16xf32>
        %mul3A_154 = arith.mulf %sub3A_153, %get3A_56 : vector<16xf32>
        %swap3A_155 = arith.index_cast %scan3A_53 : i32 to index
        %swap3A_156 = arith.constant 96 : index
        %swap3A_157 = tpu.vector_load %arg12[%swap3A_155, %swap3A_156] {strides = array<i32>} : memref<64x128xf32, #tpu.memory_space<vmem>>, vector<1x16xf32>,
        %swap3A_158 = vector.shape_cast %swap3A_157 : vector<1x16xf32> to vector<16xf32>
        %swap3A_159 = vector.shape_cast %mul3A_154 : vector<16xf32> to vector<1x16xf32>
        tpu.vector_store %arg12[%swap3A_155, %swap3A_156], %swap3A_159 {strides = array<i32>} : memref<64x128xf32, #tpu.memory_space<vmem>>, vector<1x16xf32>,
        %get3A_160 = arith.index_cast %scan3A_53 : i32 to index
        %get3A_161 = arith.constant 112 : index
        %get3A_162 = tpu.vector_load %arg10[%get3A_160, %get3A_161] {strides = array<i32>} : memref<64x128xf32, #tpu.memory_space<vmem>>, vector<1x16xf32>,
        %get3A_163 = vector.shape_cast %get3A_162 : vector<1x16xf32> to vector<16xf32>
        %get3A_164 = arith.index_cast %scan3A_53 : i32 to index
        %get3A_165 = arith.constant 112 : index
        %get3A_166 = tpu.vector_load %arg11[%get3A_164, %get3A_165] {strides = array<i32>} : memref<64x128xf32, #tpu.memory_space<vmem>>, vector<1x16xf32>,
        %get3A_167 = vector.shape_cast %get3A_166 : vector<1x16xf32> to vector<16xf32>
        %sub3A_168 = arith.subf %get3A_163, %get3A_167 : vector<16xf32>
        %mul3A_169 = arith.mulf %sub3A_168, %get3A_56 : vector<16xf32>
        %swap3A_170 = arith.index_cast %scan3A_53 : i32 to index
        %swap3A_171 = arith.constant 112 : index
        %swap3A_172 = tpu.vector_load %arg12[%swap3A_170, %swap3A_171] {strides = array<i32>} : memref<64x128xf32, #tpu.memory_space<vmem>>, vector<1x16xf32>,
        %swap3A_173 = vector.shape_cast %swap3A_172 : vector<1x16xf32> to vector<16xf32>
        %swap3A_174 = vector.shape_cast %mul3A_169 : vector<16xf32> to vector<1x16xf32>
        tpu.vector_store %arg12[%swap3A_170, %swap3A_171], %swap3A_174 {strides = array<i32>} : memref<64x128xf32, #tpu.memory_space<vmem>>, vector<1x16xf32>,
      }
      %scan3A_48 = arith.constant 64 : i32
      %dma_wait3A_49 = arith.constant 0 : i32
      %dma_wait3A_50 = tpu.memref_slice %arg18[%min3A_1, %dma_wait3A_49] : memref<2000x128xf32, #tpu.memory_space<vmem_shared>> -> memref<128x128xf32, #tpu.memory_space<vmem_shared>>
      %dma_wait3A_51 = arith.constant 0 : i32
      %dma_wait3A_52 = tpu.memref_slice %arg5[%min3A_1, %dma_wait3A_51] : memref<2000x128xf32, #tpu.memory_space<hbm>> -> memref<128x128xf32, #tpu.memory_space<hbm>>
      tpu.wait_dma2 semaphore(%arg14 : memref<!tpu.dma_semaphore, #tpu.memory_space<semaphore_mem>>) src(%dma_wait3A_52 : memref<128x128xf32, #tpu.memory_space<hbm>>) dst(%dma_wait3A_50 : memref<128x128xf32, #tpu.memory_space<vmem_shared>>)
    } else {
    }
    %eq3A_6 = arith.constant 1 : i32
    %eq3A_7 = arith.cmpi eq, %arg0, %eq3A_6 : i32
    %convert_element_type3A_8 = arith.extui %eq3A_7 : i1 to i32
    %cond3A_9 = arith.constant 0 : i32
    %cond3A_10 = arith.cmpi ne, %convert_element_type3A_8, %cond3A_9 : i32
    scf.if %cond3A_10 {
      %dma_start3A = arith.constant 0 : i32
      %dma_start3A_22 = tpu.memref_slice %arg18[%min3A_1, %dma_start3A] : memref<2000x128xf32, #tpu.memory_space<vmem_shared>> -> memref<128x128xf32, #tpu.memory_space<vmem_shared>>
      %dma_start3A_23 = arith.constant 0 : i32
      %dma_start3A_24 = tpu.memref_slice %arg6[%min3A_1, %dma_start3A_23] : memref<2000x128xf32, #tpu.memory_space<hbm>> -> memref<128x128xf32, #tpu.memory_space<hbm>>
      tpu.enqueue_dma source(%dma_start3A_24 : memref<128x128xf32, #tpu.memory_space<hbm>>) target(%dma_start3A_22 : memref<128x128xf32, #tpu.memory_space<vmem_shared>>) target_semaphore(%arg14 : memref<!tpu.dma_semaphore, #tpu.memory_space<semaphore_mem>>)
      %dma_start3A_25 = arith.constant 0 : i32
      %dma_start3A_26 = tpu.memref_slice %arg2[%mul3A_3, %dma_start3A_25] : memref<1024x128xf32, #tpu.memory_space<hbm>> -> memref<64x128xf32, #tpu.memory_space<hbm>>
      %dma_start3A_27 = arith.constant 0 : i32
      %dma_start3A_28 = tpu.memref_slice %arg2[%mul3A_3, %dma_start3A_27] : memref<1024x128xf32, #tpu.memory_space<hbm>> -> memref<64x128xf32, #tpu.memory_space<hbm>>
      tpu.enqueue_dma source(%dma_start3A_28 : memref<64x128xf32, #tpu.memory_space<hbm>>) target(%arg10 : memref<64x128xf32, #tpu.memory_space<vmem>>) target_semaphore(%arg15 : memref<!tpu.dma_semaphore, #tpu.memory_space<semaphore_mem>>)
      %dma_start3A_29 = arith.constant 0 : i32
      %dma_start3A_30 = arith.constant 0 : i32
      %dma_start3A_31 = tpu.memref_slice %arg5[%dma_start3A_29, %dma_start3A_30] : memref<2000x128xf32, #tpu.memory_space<hbm>> -> memref<2000x128xf32, #tpu.memory_space<hbm>>
      tpu.enqueue_indirect_dma source(%dma_start3A_31 : memref<2000x128xf32, #tpu.memory_space<hbm>>) target(%arg11 : memref<64x128xf32, #tpu.memory_space<vmem>>) offsets(%arg9 : memref<64xi32, #tpu.memory_space<vmem>>) semaphore(%arg16 : memref<!tpu.dma_semaphore, #tpu.memory_space<semaphore_mem>>)
      %dma_wait3A = arith.constant 0 : i32
      %dma_wait3A_32 = tpu.memref_slice %arg2[%mul3A_3, %dma_wait3A] : memref<1024x128xf32, #tpu.memory_space<hbm>> -> memref<64x128xf32, #tpu.memory_space<hbm>>
      %dma_wait3A_33 = arith.constant 0 : i32
      %dma_wait3A_34 = tpu.memref_slice %arg2[%mul3A_3, %dma_wait3A_33] : memref<1024x128xf32, #tpu.memory_space<hbm>> -> memref<64x128xf32, #tpu.memory_space<hbm>>
      tpu.wait_dma2 semaphore(%arg15 : memref<!tpu.dma_semaphore, #tpu.memory_space<semaphore_mem>>) src(%dma_wait3A_34 : memref<64x128xf32, #tpu.memory_space<hbm>>) dst(%arg10 : memref<64x128xf32, #tpu.memory_space<vmem>>)
      %dma_wait3A_35 = arith.constant 0 : i32
      %dma_wait3A_36 = arith.constant 0 : i32
      %dma_wait3A_37 = tpu.memref_slice %arg5[%dma_wait3A_35, %dma_wait3A_36] : memref<2000x128xf32, #tpu.memory_space<hbm>> -> memref<2000x128xf32, #tpu.memory_space<hbm>>
      tpu.wait_indirect_dma semaphore(%arg16 : memref<!tpu.dma_semaphore, #tpu.memory_space<semaphore_mem>>) src(%dma_wait3A_37 : memref<2000x128xf32, #tpu.memory_space<hbm>>) dst(%arg11 : memref<64x128xf32, #tpu.memory_space<vmem>>)
      %scan3A = arith.constant 0 : i32
      %scan3A_38 = arith.constant 0 : i32
      %scan3A_39 = arith.constant 64 : i32
      %scan3A_40 = arith.addi %scan3A_38, %scan3A_39 : i32
      %scan3A_41 = arith.constant 1 : i32
      scf.for %scan3A_47 = %scan3A_38 to %scan3A_40 step %scan3A_41  : i32 {
        %get3A = arith.index_cast %scan3A_47 : i32 to index
        %get3A_48 = arith.constant 0 : index
        %get3A_49 = tpu.vector_load %arg10[%get3A, %get3A_48] {strides = array<i32>} : memref<64x128xf32, #tpu.memory_space<vmem>>, vector<1x16xf32>,
        %get3A_50 = vector.shape_cast %get3A_49 : vector<1x16xf32> to vector<16xf32>
        %get3A_51 = arith.index_cast %scan3A_47 : i32 to index
        %get3A_52 = arith.constant 0 : index
        %get3A_53 = tpu.vector_load %arg11[%get3A_51, %get3A_52] {strides = array<i32>} : memref<64x128xf32, #tpu.memory_space<vmem>>, vector<1x16xf32>,
        %get3A_54 = vector.shape_cast %get3A_53 : vector<1x16xf32> to vector<16xf32>
        %sub3A = arith.subf %get3A_50, %get3A_54 : vector<16xf32>
        %mul3A_55 = arith.mulf %sub3A, %sub3A : vector<16xf32>
        %swap3A = arith.index_cast %scan3A_47 : i32 to index
        %swap3A_56 = arith.constant 0 : index
        %swap3A_57 = tpu.vector_load %arg12[%swap3A, %swap3A_56] {strides = array<i32>} : memref<64x128xf32, #tpu.memory_space<vmem>>, vector<1x16xf32>,
        %swap3A_58 = vector.shape_cast %swap3A_57 : vector<1x16xf32> to vector<16xf32>
        %swap3A_59 = vector.shape_cast %mul3A_55 : vector<16xf32> to vector<1x16xf32>
        tpu.vector_store %arg12[%swap3A, %swap3A_56], %swap3A_59 {strides = array<i32>} : memref<64x128xf32, #tpu.memory_space<vmem>>, vector<1x16xf32>,
        %get3A_60 = arith.index_cast %scan3A_47 : i32 to index
        %get3A_61 = arith.constant 16 : index
        %get3A_62 = tpu.vector_load %arg10[%get3A_60, %get3A_61] {strides = array<i32>} : memref<64x128xf32, #tpu.memory_space<vmem>>, vector<1x16xf32>,
        %get3A_63 = vector.shape_cast %get3A_62 : vector<1x16xf32> to vector<16xf32>
        %get3A_64 = arith.index_cast %scan3A_47 : i32 to index
        %get3A_65 = arith.constant 16 : index
        %get3A_66 = tpu.vector_load %arg11[%get3A_64, %get3A_65] {strides = array<i32>} : memref<64x128xf32, #tpu.memory_space<vmem>>, vector<1x16xf32>,
        %get3A_67 = vector.shape_cast %get3A_66 : vector<1x16xf32> to vector<16xf32>
        %sub3A_68 = arith.subf %get3A_63, %get3A_67 : vector<16xf32>
        %mul3A_69 = arith.mulf %sub3A_68, %sub3A_68 : vector<16xf32>
        %swap3A_70 = arith.index_cast %scan3A_47 : i32 to index
        %swap3A_71 = arith.constant 16 : index
        %swap3A_72 = tpu.vector_load %arg12[%swap3A_70, %swap3A_71] {strides = array<i32>} : memref<64x128xf32, #tpu.memory_space<vmem>>, vector<1x16xf32>,
        %swap3A_73 = vector.shape_cast %swap3A_72 : vector<1x16xf32> to vector<16xf32>
        %swap3A_74 = vector.shape_cast %mul3A_69 : vector<16xf32> to vector<1x16xf32>
        tpu.vector_store %arg12[%swap3A_70, %swap3A_71], %swap3A_74 {strides = array<i32>} : memref<64x128xf32, #tpu.memory_space<vmem>>, vector<1x16xf32>,
        %get3A_75 = arith.index_cast %scan3A_47 : i32 to index
        %get3A_76 = arith.constant 32 : index
        %get3A_77 = tpu.vector_load %arg10[%get3A_75, %get3A_76] {strides = array<i32>} : memref<64x128xf32, #tpu.memory_space<vmem>>, vector<1x16xf32>,
        %get3A_78 = vector.shape_cast %get3A_77 : vector<1x16xf32> to vector<16xf32>
        %get3A_79 = arith.index_cast %scan3A_47 : i32 to index
        %get3A_80 = arith.constant 32 : index
        %get3A_81 = tpu.vector_load %arg11[%get3A_79, %get3A_80] {strides = array<i32>} : memref<64x128xf32, #tpu.memory_space<vmem>>, vector<1x16xf32>,
        %get3A_82 = vector.shape_cast %get3A_81 : vector<1x16xf32> to vector<16xf32>
        %sub3A_83 = arith.subf %get3A_78, %get3A_82 : vector<16xf32>
        %mul3A_84 = arith.mulf %sub3A_83, %sub3A_83 : vector<16xf32>
        %swap3A_85 = arith.index_cast %scan3A_47 : i32 to index
        %swap3A_86 = arith.constant 32 : index
        %swap3A_87 = tpu.vector_load %arg12[%swap3A_85, %swap3A_86] {strides = array<i32>} : memref<64x128xf32, #tpu.memory_space<vmem>>, vector<1x16xf32>,
        %swap3A_88 = vector.shape_cast %swap3A_87 : vector<1x16xf32> to vector<16xf32>
        %swap3A_89 = vector.shape_cast %mul3A_84 : vector<16xf32> to vector<1x16xf32>
        tpu.vector_store %arg12[%swap3A_85, %swap3A_86], %swap3A_89 {strides = array<i32>} : memref<64x128xf32, #tpu.memory_space<vmem>>, vector<1x16xf32>,
        %get3A_90 = arith.index_cast %scan3A_47 : i32 to index
        %get3A_91 = arith.constant 48 : index
        %get3A_92 = tpu.vector_load %arg10[%get3A_90, %get3A_91] {strides = array<i32>} : memref<64x128xf32, #tpu.memory_space<vmem>>, vector<1x16xf32>,
        %get3A_93 = vector.shape_cast %get3A_92 : vector<1x16xf32> to vector<16xf32>
        %get3A_94 = arith.index_cast %scan3A_47 : i32 to index
        %get3A_95 = arith.constant 48 : index
        %get3A_96 = tpu.vector_load %arg11[%get3A_94, %get3A_95] {strides = array<i32>} : memref<64x128xf32, #tpu.memory_space<vmem>>, vector<1x16xf32>,
        %get3A_97 = vector.shape_cast %get3A_96 : vector<1x16xf32> to vector<16xf32>
        %sub3A_98 = arith.subf %get3A_93, %get3A_97 : vector<16xf32>
        %mul3A_99 = arith.mulf %sub3A_98, %sub3A_98 : vector<16xf32>
        %swap3A_100 = arith.index_cast %scan3A_47 : i32 to index
        %swap3A_101 = arith.constant 48 : index
        %swap3A_102 = tpu.vector_load %arg12[%swap3A_100, %swap3A_101] {strides = array<i32>} : memref<64x128xf32, #tpu.memory_space<vmem>>, vector<1x16xf32>,
        %swap3A_103 = vector.shape_cast %swap3A_102 : vector<1x16xf32> to vector<16xf32>
        %swap3A_104 = vector.shape_cast %mul3A_99 : vector<16xf32> to vector<1x16xf32>
        tpu.vector_store %arg12[%swap3A_100, %swap3A_101], %swap3A_104 {strides = array<i32>} : memref<64x128xf32, #tpu.memory_space<vmem>>, vector<1x16xf32>,
        %get3A_105 = arith.index_cast %scan3A_47 : i32 to index
        %get3A_106 = arith.constant 64 : index
        %get3A_107 = tpu.vector_load %arg10[%get3A_105, %get3A_106] {strides = array<i32>} : memref<64x128xf32, #tpu.memory_space<vmem>>, vector<1x16xf32>,
        %get3A_108 = vector.shape_cast %get3A_107 : vector<1x16xf32> to vector<16xf32>
        %get3A_109 = arith.index_cast %scan3A_47 : i32 to index
        %get3A_110 = arith.constant 64 : index
        %get3A_111 = tpu.vector_load %arg11[%get3A_109, %get3A_110] {strides = array<i32>} : memref<64x128xf32, #tpu.memory_space<vmem>>, vector<1x16xf32>,
        %get3A_112 = vector.shape_cast %get3A_111 : vector<1x16xf32> to vector<16xf32>
        %sub3A_113 = arith.subf %get3A_108, %get3A_112 : vector<16xf32>
        %mul3A_114 = arith.mulf %sub3A_113, %sub3A_113 : vector<16xf32>
        %swap3A_115 = arith.index_cast %scan3A_47 : i32 to index
        %swap3A_116 = arith.constant 64 : index
        %swap3A_117 = tpu.vector_load %arg12[%swap3A_115, %swap3A_116] {strides = array<i32>} : memref<64x128xf32, #tpu.memory_space<vmem>>, vector<1x16xf32>,
        %swap3A_118 = vector.shape_cast %swap3A_117 : vector<1x16xf32> to vector<16xf32>
        %swap3A_119 = vector.shape_cast %mul3A_114 : vector<16xf32> to vector<1x16xf32>
        tpu.vector_store %arg12[%swap3A_115, %swap3A_116], %swap3A_119 {strides = array<i32>} : memref<64x128xf32, #tpu.memory_space<vmem>>, vector<1x16xf32>,
        %get3A_120 = arith.index_cast %scan3A_47 : i32 to index
        %get3A_121 = arith.constant 80 : index
        %get3A_122 = tpu.vector_load %arg10[%get3A_120, %get3A_121] {strides = array<i32>} : memref<64x128xf32, #tpu.memory_space<vmem>>, vector<1x16xf32>,
        %get3A_123 = vector.shape_cast %get3A_122 : vector<1x16xf32> to vector<16xf32>
        %get3A_124 = arith.index_cast %scan3A_47 : i32 to index
        %get3A_125 = arith.constant 80 : index
        %get3A_126 = tpu.vector_load %arg11[%get3A_124, %get3A_125] {strides = array<i32>} : memref<64x128xf32, #tpu.memory_space<vmem>>, vector<1x16xf32>,
        %get3A_127 = vector.shape_cast %get3A_126 : vector<1x16xf32> to vector<16xf32>
        %sub3A_128 = arith.subf %get3A_123, %get3A_127 : vector<16xf32>
        %mul3A_129 = arith.mulf %sub3A_128, %sub3A_128 : vector<16xf32>
        %swap3A_130 = arith.index_cast %scan3A_47 : i32 to index
        %swap3A_131 = arith.constant 80 : index
        %swap3A_132 = tpu.vector_load %arg12[%swap3A_130, %swap3A_131] {strides = array<i32>} : memref<64x128xf32, #tpu.memory_space<vmem>>, vector<1x16xf32>,
        %swap3A_133 = vector.shape_cast %swap3A_132 : vector<1x16xf32> to vector<16xf32>
        %swap3A_134 = vector.shape_cast %mul3A_129 : vector<16xf32> to vector<1x16xf32>
        tpu.vector_store %arg12[%swap3A_130, %swap3A_131], %swap3A_134 {strides = array<i32>} : memref<64x128xf32, #tpu.memory_space<vmem>>, vector<1x16xf32>,
        %get3A_135 = arith.index_cast %scan3A_47 : i32 to index
        %get3A_136 = arith.constant 96 : index
        %get3A_137 = tpu.vector_load %arg10[%get3A_135, %get3A_136] {strides = array<i32>} : memref<64x128xf32, #tpu.memory_space<vmem>>, vector<1x16xf32>,
        %get3A_138 = vector.shape_cast %get3A_137 : vector<1x16xf32> to vector<16xf32>
        %get3A_139 = arith.index_cast %scan3A_47 : i32 to index
        %get3A_140 = arith.constant 96 : index
        %get3A_141 = tpu.vector_load %arg11[%get3A_139, %get3A_140] {strides = array<i32>} : memref<64x128xf32, #tpu.memory_space<vmem>>, vector<1x16xf32>,
        %get3A_142 = vector.shape_cast %get3A_141 : vector<1x16xf32> to vector<16xf32>
        %sub3A_143 = arith.subf %get3A_138, %get3A_142 : vector<16xf32>
        %mul3A_144 = arith.mulf %sub3A_143, %sub3A_143 : vector<16xf32>
        %swap3A_145 = arith.index_cast %scan3A_47 : i32 to index
        %swap3A_146 = arith.constant 96 : index
        %swap3A_147 = tpu.vector_load %arg12[%swap3A_145, %swap3A_146] {strides = array<i32>} : memref<64x128xf32, #tpu.memory_space<vmem>>, vector<1x16xf32>,
        %swap3A_148 = vector.shape_cast %swap3A_147 : vector<1x16xf32> to vector<16xf32>
        %swap3A_149 = vector.shape_cast %mul3A_144 : vector<16xf32> to vector<1x16xf32>
        tpu.vector_store %arg12[%swap3A_145, %swap3A_146], %swap3A_149 {strides = array<i32>} : memref<64x128xf32, #tpu.memory_space<vmem>>, vector<1x16xf32>,
        %get3A_150 = arith.index_cast %scan3A_47 : i32 to index
        %get3A_151 = arith.constant 112 : index
        %get3A_152 = tpu.vector_load %arg10[%get3A_150, %get3A_151] {strides = array<i32>} : memref<64x128xf32, #tpu.memory_space<vmem>>, vector<1x16xf32>,
        %get3A_153 = vector.shape_cast %get3A_152 : vector<1x16xf32> to vector<16xf32>
        %get3A_154 = arith.index_cast %scan3A_47 : i32 to index
        %get3A_155 = arith.constant 112 : index
        %get3A_156 = tpu.vector_load %arg11[%get3A_154, %get3A_155] {strides = array<i32>} : memref<64x128xf32, #tpu.memory_space<vmem>>, vector<1x16xf32>,
        %get3A_157 = vector.shape_cast %get3A_156 : vector<1x16xf32> to vector<16xf32>
        %sub3A_158 = arith.subf %get3A_153, %get3A_157 : vector<16xf32>
        %mul3A_159 = arith.mulf %sub3A_158, %sub3A_158 : vector<16xf32>
        %swap3A_160 = arith.index_cast %scan3A_47 : i32 to index
        %swap3A_161 = arith.constant 112 : index
        %swap3A_162 = tpu.vector_load %arg12[%swap3A_160, %swap3A_161] {strides = array<i32>} : memref<64x128xf32, #tpu.memory_space<vmem>>, vector<1x16xf32>,
        %swap3A_163 = vector.shape_cast %swap3A_162 : vector<1x16xf32> to vector<16xf32>
        %swap3A_164 = vector.shape_cast %mul3A_159 : vector<16xf32> to vector<1x16xf32>
        tpu.vector_store %arg12[%swap3A_160, %swap3A_161], %swap3A_164 {strides = array<i32>} : memref<64x128xf32, #tpu.memory_space<vmem>>, vector<1x16xf32>,
      }
      %scan3A_42 = arith.constant 64 : i32
      %dma_wait3A_43 = arith.constant 0 : i32
      %dma_wait3A_44 = tpu.memref_slice %arg18[%min3A_1, %dma_wait3A_43] : memref<2000x128xf32, #tpu.memory_space<vmem_shared>> -> memref<128x128xf32, #tpu.memory_space<vmem_shared>>
      %dma_wait3A_45 = arith.constant 0 : i32
      %dma_wait3A_46 = tpu.memref_slice %arg6[%min3A_1, %dma_wait3A_45] : memref<2000x128xf32, #tpu.memory_space<hbm>> -> memref<128x128xf32, #tpu.memory_space<hbm>>
      tpu.wait_dma2 semaphore(%arg14 : memref<!tpu.dma_semaphore, #tpu.memory_space<semaphore_mem>>) src(%dma_wait3A_46 : memref<128x128xf32, #tpu.memory_space<hbm>>) dst(%dma_wait3A_44 : memref<128x128xf32, #tpu.memory_space<vmem_shared>>)
    } else {
    }
    %barrier3A = arith.constant 0 : index
    tpu.barrier barrier_id(%barrier3A)
    "tpu.region"() ({
      %run_scoped3A = tpu.sem_alloc : memref<!tpu.dma_semaphore, #tpu.memory_space<semaphore_mem>>
      %dma_start3A = arith.constant 0 : i32
      %dma_start3A_22 = arith.constant 0 : i32
      %dma_start3A_23 = tpu.memref_slice %arg18[%dma_start3A, %dma_start3A_22] : memref<2000x128xf32, #tpu.memory_space<vmem_shared>> -> memref<2000x128xf32, #tpu.memory_space<vmem_shared>>
      tpu.enqueue_indirect_dma source(%arg12 : memref<64x128xf32, #tpu.memory_space<vmem>>) target(%dma_start3A_23 : memref<2000x128xf32, #tpu.memory_space<vmem_shared>>) offsets(%arg9 : memref<64xi32, #tpu.memory_space<vmem>>) semaphore(%run_scoped3A : memref<!tpu.dma_semaphore, #tpu.memory_space<semaphore_mem>>) {add = true}
      %dma_wait3A = arith.constant 0 : i32
      %dma_wait3A_24 = arith.constant 0 : i32
      %dma_wait3A_25 = tpu.memref_slice %arg18[%dma_wait3A, %dma_wait3A_24] : memref<2000x128xf32, #tpu.memory_space<vmem_shared>> -> memref<2000x128xf32, #tpu.memory_space<vmem_shared>>
      tpu.wait_indirect_dma semaphore(%run_scoped3A : memref<!tpu.dma_semaphore, #tpu.memory_space<semaphore_mem>>) src(%arg12 : memref<64x128xf32, #tpu.memory_space<vmem>>) dst(%dma_wait3A_25 : memref<2000x128xf32, #tpu.memory_space<vmem_shared>>)
      tpu.yield
    }) : () -> ()
    %barrier3A_11 = arith.constant 0 : index
    tpu.barrier barrier_id(%barrier3A_11)
    %eq3A_12 = arith.constant 0 : i32
    %eq3A_13 = arith.cmpi eq, %arg0, %eq3A_12 : i32
    %convert_element_type3A_14 = arith.extui %eq3A_13 : i1 to i32
    %cond3A_15 = arith.constant 0 : i32
    %cond3A_16 = arith.cmpi ne, %convert_element_type3A_14, %cond3A_15 : i32
    scf.if %cond3A_16 {
      "tpu.region"() ({
        %run_scoped3A = tpu.sem_alloc : memref<!tpu.dma_semaphore, #tpu.memory_space<semaphore_mem>>
        %dma_start3A = arith.constant 0 : i32
        %dma_start3A_22 = tpu.memref_slice %arg7[%min3A_1, %dma_start3A] : memref<2000x128xf32, #tpu.memory_space<hbm>> -> memref<128x128xf32, #tpu.memory_space<hbm>>
        %dma_start3A_23 = arith.constant 0 : i32
        %dma_start3A_24 = tpu.memref_slice %arg18[%min3A_1, %dma_start3A_23] : memref<2000x128xf32, #tpu.memory_space<vmem_shared>> -> memref<128x128xf32, #tpu.memory_space<vmem_shared>>
        tpu.enqueue_dma source(%dma_start3A_24 : memref<128x128xf32, #tpu.memory_space<vmem_shared>>) target(%dma_start3A_22 : memref<128x128xf32, #tpu.memory_space<hbm>>) target_semaphore(%run_scoped3A : memref<!tpu.dma_semaphore, #tpu.memory_space<semaphore_mem>>)
        %dma_wait3A = arith.constant 0 : i32
        %dma_wait3A_25 = tpu.memref_slice %arg7[%min3A_1, %dma_wait3A] : memref<2000x128xf32, #tpu.memory_space<hbm>> -> memref<128x128xf32, #tpu.memory_space<hbm>>
        %dma_wait3A_26 = arith.constant 0 : i32
        %dma_wait3A_27 = tpu.memref_slice %arg18[%min3A_1, %dma_wait3A_26] : memref<2000x128xf32, #tpu.memory_space<vmem_shared>> -> memref<128x128xf32, #tpu.memory_space<vmem_shared>>
        tpu.wait_dma2 semaphore(%run_scoped3A : memref<!tpu.dma_semaphore, #tpu.memory_space<semaphore_mem>>) src(%dma_wait3A_27 : memref<128x128xf32, #tpu.memory_space<vmem_shared>>) dst(%dma_wait3A_25 : memref<128x128xf32, #tpu.memory_space<hbm>>)
        tpu.yield
      }) : () -> ()
    } else {
    }
    %eq3A_17 = arith.constant 1 : i32
    %eq3A_18 = arith.cmpi eq, %arg0, %eq3A_17 : i32
    %convert_element_type3A_19 = arith.extui %eq3A_18 : i1 to i32
    %cond3A_20 = arith.constant 0 : i32
    %cond3A_21 = arith.cmpi ne, %convert_element_type3A_19, %cond3A_20 : i32
    scf.if %cond3A_21 {
      "tpu.region"() ({
        %run_scoped3A = tpu.sem_alloc : memref<!tpu.dma_semaphore, #tpu.memory_space<semaphore_mem>>
        %dma_start3A = arith.constant 0 : i32
        %dma_start3A_22 = tpu.memref_slice %arg8[%min3A_1, %dma_start3A] : memref<2000x128xf32, #tpu.memory_space<hbm>> -> memref<128x128xf32, #tpu.memory_space<hbm>>
        %dma_start3A_23 = arith.constant 0 : i32
        %dma_start3A_24 = tpu.memref_slice %arg18[%min3A_1, %dma_start3A_23] : memref<2000x128xf32, #tpu.memory_space<vmem_shared>> -> memref<128x128xf32, #tpu.memory_space<vmem_shared>>
        tpu.enqueue_dma source(%dma_start3A_24 : memref<128x128xf32, #tpu.memory_space<vmem_shared>>) target(%dma_start3A_22 : memref<128x128xf32, #tpu.memory_space<hbm>>) target_semaphore(%run_scoped3A : memref<!tpu.dma_semaphore, #tpu.memory_space<semaphore_mem>>)
        %dma_wait3A = arith.constant 0 : i32
        %dma_wait3A_25 = tpu.memref_slice %arg8[%min3A_1, %dma_wait3A] : memref<2000x128xf32, #tpu.memory_space<hbm>> -> memref<128x128xf32, #tpu.memory_space<hbm>>
        %dma_wait3A_26 = arith.constant 0 : i32
        %dma_wait3A_27 = tpu.memref_slice %arg18[%min3A_1, %dma_wait3A_26] : memref<2000x128xf32, #tpu.memory_space<vmem_shared>> -> memref<128x128xf32, #tpu.memory_space<vmem_shared>>
        tpu.wait_dma2 semaphore(%run_scoped3A : memref<!tpu.dma_semaphore, #tpu.memory_space<semaphore_mem>>) src(%dma_wait3A_27 : memref<128x128xf32, #tpu.memory_space<vmem_shared>>) dst(%dma_wait3A_25 : memref<128x128xf32, #tpu.memory_space<hbm>>)
        tpu.yield
      }) : () -> ()
    } else {
    }
    return
  }
}

module attributes {stable_mosaic.version = 14 : i64} {
  func.func @_act_body(%arg0: i32, %arg1: memref<512x128xf32, #tpu.memory_space<vmem>>, %arg2: memref<512x1xi32, #tpu.memory_space<vmem>>, %arg3: memref<2000xf32, #tpu.memory_space<vmem>>, %arg4: memref<2000x128xf32, #tpu.memory_space<vmem>>, %arg5: memref<2000x128xf32, #tpu.memory_space<vmem>>, %arg6: memref<2000x10xi32, #tpu.memory_space<vmem>>, %arg7: memref<1024x10xf32, #tpu.memory_space<vmem>>, %arg8: memref<1024xi32, #tpu.memory_space<vmem>>, %arg9: memref<1024xi32, #tpu.memory_space<vmem>>, %arg10: memref<1024xi32, #tpu.memory_space<vmem>>, %arg11: memref<2000xf32, #tpu.memory_space<vmem>>, %arg12: memref<2000x128xf32, #tpu.memory_space<vmem>>, %arg13: memref<2048x128xf32, #tpu.memory_space<vmem>>, %arg14: memref<2048x128xf32, #tpu.memory_space<vmem>>, %arg15: memref<1x2048xf32, #tpu.memory_space<vmem>>, %arg16: memref<1x2048xf32, #tpu.memory_space<vmem>>, %arg17: memref<2048x10xf32, #tpu.memory_space<vmem>>, %arg18: memref<1x2048xf32, #tpu.memory_space<vmem>>) attributes {dimension_semantics = [#tpu.dimension_semantics<arbitrary>], iteration_bounds = array<i64: 3>, scalar_prefetch = 0 : i64, scratch_operands = 6 : i64, tpu.core_type = #tpu.core_type<tc>, window_params = [{transform_indices = @transform_0, window_bounds = array<i64: 512, 128>}, {transform_indices = @transform_1, window_bounds = array<i64: 512, 1>}, {pipeline_mode = #tpu.pipeline_mode<synchronous>, transform_indices = @transform_2, window_bounds = array<i64: 2000>}, {pipeline_mode = #tpu.pipeline_mode<synchronous>, transform_indices = @transform_3, window_bounds = array<i64: 2000, 128>}, {pipeline_mode = #tpu.pipeline_mode<synchronous>, transform_indices = @transform_4, window_bounds = array<i64: 2000, 128>}, {pipeline_mode = #tpu.pipeline_mode<synchronous>, transform_indices = @transform_5, window_bounds = array<i64: 2000, 10>}, {pipeline_mode = #tpu.pipeline_mode<synchronous>, transform_indices = @transform_6, window_bounds = array<i64: 1024, 10>}, {pipeline_mode = #tpu.pipeline_mode<synchronous>, transform_indices = @transform_7, window_bounds = array<i64: 1024>}, {pipeline_mode = #tpu.pipeline_mode<synchronous>, transform_indices = @transform_8, window_bounds = array<i64: 1024>}, {pipeline_mode = #tpu.pipeline_mode<synchronous>, transform_indices = @transform_9, window_bounds = array<i64: 1024>}, {pipeline_mode = #tpu.pipeline_mode<synchronous>, transform_indices = @transform_10, window_bounds = array<i64: 2000>}, {pipeline_mode = #tpu.pipeline_mode<synchronous>, transform_indices = @transform_11, window_bounds = array<i64: 2000, 128>}]} {
    %eq3A = arith.constant 0 : i32
    %eq3A_0 = arith.cmpi eq, %arg0, %eq3A : i32
    %convert_element_type3A = arith.extui %eq3A_0 : i1 to i32
    %cond3A = arith.constant 0 : i32
    %cond3A_1 = arith.cmpi ne, %convert_element_type3A, %cond3A : i32
    scf.if %cond3A_1 {
      %get3A = arith.constant 0 : index
      %get3A_11 = arith.constant 0 : index
      %get3A_12 = vector.load %arg5[%get3A, %get3A_11] : memref<2000x128xf32, #tpu.memory_space<vmem>>, vector<2000x128xf32>
      %get3A_13 = arith.constant 0 : index
      %get3A_14 = vector.load %arg3[%get3A_13] : memref<2000xf32, #tpu.memory_space<vmem>>, vector<2000xf32>
      %max3A = arith.constant 1.000000e+00 : f32
      %max3A_15 = vector.broadcast %max3A : f32 to vector<2000xf32>
      %max3A_16 = arith.maximumf %get3A_14, %max3A_15 : vector<2000xf32>
      %broadcast_in_dim3A = vector.shape_cast %max3A_16 : vector<2000xf32> to vector<2000x1xf32>
      %div3A = vector.broadcast %broadcast_in_dim3A : vector<2000x1xf32> to vector<2000x128xf32>
      %div3A_17 = arith.divf %get3A_12, %div3A : vector<2000x128xf32>
      %add3A = arith.constant 9.99999997E-7 : f32
      %add3A_18 = vector.broadcast %add3A : f32 to vector<2000x128xf32>
      %add3A_19 = arith.addf %div3A_17, %add3A_18 : vector<2000x128xf32>
      %div3A_20 = arith.constant 1.000000e+00 : f32
      %div3A_21 = vector.broadcast %div3A_20 : f32 to vector<2000x128xf32>
      %div3A_22 = arith.divf %div3A_21, %add3A_19 : vector<2000x128xf32>
      %swap3A = arith.constant 0 : index
      %swap3A_23 = arith.constant 0 : index
      %swap3A_24 = vector.load %arg13[%swap3A, %swap3A_23] : memref<2048x128xf32, #tpu.memory_space<vmem>>, vector<2000x128xf32>
      tpu.vector_store %arg13[%swap3A, %swap3A_23], %div3A_22 {strides = array<i32>} : memref<2048x128xf32, #tpu.memory_space<vmem>>, vector<2000x128xf32>,
      %broadcast_in_dim3A_25 = arith.constant 1.000000e+06 : f32
      %broadcast_in_dim3A_26 = vector.broadcast %broadcast_in_dim3A_25 : f32 to vector<48x128xf32>
      %swap3A_27 = arith.constant 2000 : index
      %swap3A_28 = arith.constant 0 : index
      %swap3A_29 = vector.load %arg13[%swap3A_27, %swap3A_28] : memref<2048x128xf32, #tpu.memory_space<vmem>>, vector<48x128xf32>
      tpu.vector_store %arg13[%swap3A_27, %swap3A_28], %broadcast_in_dim3A_26 {strides = array<i32>} : memref<2048x128xf32, #tpu.memory_space<vmem>>, vector<48x128xf32>,
      %get3A_30 = arith.constant 0 : index
      %get3A_31 = arith.constant 0 : index
      %get3A_32 = vector.load %arg4[%get3A_30, %get3A_31] : memref<2000x128xf32, #tpu.memory_space<vmem>>, vector<2000x128xf32>
      %mul3A = arith.constant 2.000000e+00 : f32
      %mul3A_33 = vector.broadcast %mul3A : f32 to vector<2000x128xf32>
      %mul3A_34 = arith.mulf %mul3A_33, %get3A_32 : vector<2000x128xf32>
      %mul3A_35 = arith.mulf %mul3A_34, %div3A_22 : vector<2000x128xf32>
      %swap3A_36 = arith.constant 0 : index
      %swap3A_37 = arith.constant 0 : index
      %swap3A_38 = vector.load %arg14[%swap3A_36, %swap3A_37] : memref<2048x128xf32, #tpu.memory_space<vmem>>, vector<2000x128xf32>
      tpu.vector_store %arg14[%swap3A_36, %swap3A_37], %mul3A_35 {strides = array<i32>} : memref<2048x128xf32, #tpu.memory_space<vmem>>, vector<2000x128xf32>,
      %broadcast_in_dim3A_39 = arith.constant 0.000000e+00 : f32
      %broadcast_in_dim3A_40 = vector.broadcast %broadcast_in_dim3A_39 : f32 to vector<48x128xf32>
      %swap3A_41 = arith.constant 2000 : index
      %swap3A_42 = arith.constant 0 : index
      %swap3A_43 = vector.load %arg14[%swap3A_41, %swap3A_42] : memref<2048x128xf32, #tpu.memory_space<vmem>>, vector<48x128xf32>
      tpu.vector_store %arg14[%swap3A_41, %swap3A_42], %broadcast_in_dim3A_40 {strides = array<i32>} : memref<2048x128xf32, #tpu.memory_space<vmem>>, vector<48x128xf32>,
      %get3A_44 = arith.constant 0 : index
      %get3A_45 = arith.constant 0 : index
      %get3A_46 = vector.load %arg4[%get3A_44, %get3A_45] : memref<2000x128xf32, #tpu.memory_space<vmem>>, vector<2000x128xf32>
      %get3A_47 = arith.constant 0 : index
      %get3A_48 = arith.constant 0 : index
      %get3A_49 = vector.load %arg4[%get3A_47, %get3A_48] : memref<2000x128xf32, #tpu.memory_space<vmem>>, vector<2000x128xf32>
      %mul3A_50 = arith.mulf %get3A_46, %get3A_49 : vector<2000x128xf32>
      %mul3A_51 = arith.mulf %mul3A_50, %div3A_22 : vector<2000x128xf32>
      %reduce_sum3A = arith.constant dense<0.000000e+00> : vector<2000xf32>
      %reduce_sum3A_52 = vector.multi_reduction <add>, %mul3A_51, %reduce_sum3A [1] : vector<2000x128xf32> to vector<2000xf32>
      %broadcast_in_dim3A_53 = vector.shape_cast %reduce_sum3A_52 : vector<2000xf32> to vector<1x2000xf32>
      %swap3A_54 = arith.constant 0 : index
      %swap3A_55 = arith.constant 0 : index
      %swap3A_56 = vector.load %arg15[%swap3A_54, %swap3A_55] : memref<1x2048xf32, #tpu.memory_space<vmem>>, vector<1x2000xf32>
      tpu.vector_store %arg15[%swap3A_54, %swap3A_55], %broadcast_in_dim3A_53 {strides = array<i32>} : memref<1x2048xf32, #tpu.memory_space<vmem>>, vector<1x2000xf32>,
      %broadcast_in_dim3A_57 = arith.constant 0.000000e+00 : f32
      %broadcast_in_dim3A_58 = vector.broadcast %broadcast_in_dim3A_57 : f32 to vector<1x48xf32>
      %swap3A_59 = arith.constant 0 : index
      %swap3A_60 = arith.constant 2000 : index
      %swap3A_61 = vector.load %arg15[%swap3A_59, %swap3A_60] : memref<1x2048xf32, #tpu.memory_space<vmem>>, vector<1x48xf32>
      tpu.vector_store %arg15[%swap3A_59, %swap3A_60], %broadcast_in_dim3A_58 {strides = array<i32>} : memref<1x2048xf32, #tpu.memory_space<vmem>>, vector<1x48xf32>,
      %get3A_62 = arith.constant 0 : index
      %get3A_63 = arith.constant 0 : index
      %get3A_64 = vector.load %arg6[%get3A_62, %get3A_63] : memref<2000x10xi32, #tpu.memory_space<vmem>>, vector<2000x10xi32>
      %convert_element_type3A_65 = arith.sitofp %get3A_64 : vector<2000x10xi32> to vector<2000x10xf32>
      %swap3A_66 = arith.constant 0 : index
      %swap3A_67 = arith.constant 0 : index
      %swap3A_68 = vector.load %arg17[%swap3A_66, %swap3A_67] : memref<2048x10xf32, #tpu.memory_space<vmem>>, vector<2000x10xf32>
      tpu.vector_store %arg17[%swap3A_66, %swap3A_67], %convert_element_type3A_65 {strides = array<i32>} : memref<2048x10xf32, #tpu.memory_space<vmem>>, vector<2000x10xf32>,
      %broadcast_in_dim3A_69 = arith.constant 0.000000e+00 : f32
      %broadcast_in_dim3A_70 = vector.broadcast %broadcast_in_dim3A_69 : f32 to vector<48x10xf32>
      %swap3A_71 = arith.constant 2000 : index
      %swap3A_72 = arith.constant 0 : index
      %swap3A_73 = vector.load %arg17[%swap3A_71, %swap3A_72] : memref<2048x10xf32, #tpu.memory_space<vmem>>, vector<48x10xf32>
      tpu.vector_store %arg17[%swap3A_71, %swap3A_72], %broadcast_in_dim3A_70 {strides = array<i32>} : memref<2048x10xf32, #tpu.memory_space<vmem>>, vector<48x10xf32>,
      %iota3A = tpu.iota {dimensions = array<i32: 1>} : vector<2048x10xi32>
      %convert_element_type3A_74 = arith.sitofp %iota3A : vector<2048x10xi32> to vector<2048x10xf32>
      %get3A_75 = arith.constant 0 : index
      %get3A_76 = arith.constant 0 : index
      %get3A_77 = vector.load %arg17[%get3A_75, %get3A_76] : memref<2048x10xf32, #tpu.memory_space<vmem>>, vector<2048x10xf32>
      %mul3A_78 = arith.mulf %get3A_77, %convert_element_type3A_74 : vector<2048x10xf32>
      %reduce_sum3A_79 = arith.constant dense<0.000000e+00> : vector<2048xf32>
      %reduce_sum3A_80 = vector.multi_reduction <add>, %mul3A_78, %reduce_sum3A_79 [1] : vector<2048x10xf32> to vector<2048xf32>
      %broadcast_in_dim3A_81 = vector.shape_cast %reduce_sum3A_80 : vector<2048xf32> to vector<1x2048xf32>
      %swap3A_82 = arith.constant 0 : index
      %swap3A_83 = arith.constant 0 : index
      %swap3A_84 = vector.load %arg16[%swap3A_82, %swap3A_83] : memref<1x2048xf32, #tpu.memory_space<vmem>>, vector<1x2048xf32>
      tpu.vector_store %arg16[%swap3A_82, %swap3A_83], %broadcast_in_dim3A_81 {strides = array<i32>} : memref<1x2048xf32, #tpu.memory_space<vmem>>, vector<1x2048xf32>,
      %broadcast_in_dim3A_85 = arith.constant -1.000000e+00 : f32
      %broadcast_in_dim3A_86 = vector.broadcast %broadcast_in_dim3A_85 : f32 to vector<1x48xf32>
      %swap3A_87 = arith.constant 0 : index
      %swap3A_88 = arith.constant 2000 : index
      %swap3A_89 = vector.load %arg16[%swap3A_87, %swap3A_88] : memref<1x2048xf32, #tpu.memory_space<vmem>>, vector<1x48xf32>
      tpu.vector_store %arg16[%swap3A_87, %swap3A_88], %broadcast_in_dim3A_86 {strides = array<i32>} : memref<1x2048xf32, #tpu.memory_space<vmem>>, vector<1x48xf32>,
      %broadcast_in_dim3A_90 = arith.constant 0.000000e+00 : f32
      %broadcast_in_dim3A_91 = vector.broadcast %broadcast_in_dim3A_90 : f32 to vector<1x2048xf32>
      %swap3A_92 = arith.constant 0 : index
      %swap3A_93 = arith.constant 0 : index
      %swap3A_94 = vector.load %arg18[%swap3A_92, %swap3A_93] : memref<1x2048xf32, #tpu.memory_space<vmem>>, vector<1x2048xf32>
      tpu.vector_store %arg18[%swap3A_92, %swap3A_93], %broadcast_in_dim3A_91 {strides = array<i32>} : memref<1x2048xf32, #tpu.memory_space<vmem>>, vector<1x2048xf32>,
    } else {
    }
    %lt3A = arith.constant 2 : i32
    %lt3A_2 = arith.cmpi slt, %arg0, %lt3A : i32
    %convert_element_type3A_3 = arith.extui %lt3A_2 : i1 to i32
    %cond3A_4 = arith.constant 0 : i32
    %cond3A_5 = arith.cmpi ne, %convert_element_type3A_3, %cond3A_4 : i32
    scf.if %cond3A_5 {
      %get3A = arith.constant 0 : index
      %get3A_11 = arith.constant 0 : index
      %get3A_12 = vector.load %arg1[%get3A, %get3A_11] : memref<512x128xf32, #tpu.memory_space<vmem>>, vector<512x128xf32>
      %mul3A = arith.mulf %get3A_12, %get3A_12 : vector<512x128xf32>
      %get3A_13 = arith.constant 0 : index
      %get3A_14 = arith.constant 0 : index
      %get3A_15 = vector.load %arg13[%get3A_13, %get3A_14] : memref<2048x128xf32, #tpu.memory_space<vmem>>, vector<2048x128xf32>
      %dot_general3A = arith.constant dense<0.000000e+00> : vector<512x2048xf32>
      %dot_general3A_16 = tpu.matmul %mul3A, %get3A_15, %dot_general3A {dimension_numbers = #tpu.dot_dimension_numbers<[1], [1], [0], [0], [0, 0, 1, 0], [], []>, transpose_lhs_hint = false} : vector<512x128xf32>, vector<2048x128xf32>, vector<512x2048xf32> -> vector<512x2048xf32>
      %get3A_17 = arith.constant 0 : index
      %get3A_18 = arith.constant 0 : index
      %get3A_19 = vector.load %arg14[%get3A_17, %get3A_18] : memref<2048x128xf32, #tpu.memory_space<vmem>>, vector<2048x128xf32>
      %dot_general3A_20 = arith.constant dense<0.000000e+00> : vector<512x2048xf32>
      %dot_general3A_21 = tpu.matmul %get3A_12, %get3A_19, %dot_general3A_20 {dimension_numbers = #tpu.dot_dimension_numbers<[1], [1], [0], [0], [0, 0, 1, 0], [], []>, transpose_lhs_hint = false} : vector<512x128xf32>, vector<2048x128xf32>, vector<512x2048xf32> -> vector<512x2048xf32>
      %sub3A = arith.subf %dot_general3A_16, %dot_general3A_21 : vector<512x2048xf32>
      %get3A_22 = arith.constant 0 : index
      %get3A_23 = arith.constant 0 : index
      %get3A_24 = vector.load %arg15[%get3A_22, %get3A_23] : memref<1x2048xf32, #tpu.memory_space<vmem>>, vector<1x2048xf32>
      %add3A = vector.broadcast %get3A_24 : vector<1x2048xf32> to vector<512x2048xf32>
      %add3A_25 = arith.addf %sub3A, %add3A : vector<512x2048xf32>
      %max3A = arith.constant 0.000000e+00 : f32
      %max3A_26 = vector.broadcast %max3A : f32 to vector<512x2048xf32>
      %max3A_27 = arith.maximumf %add3A_25, %max3A_26 : vector<512x2048xf32>
      %slice3A = vector.extract_strided_slice %max3A_27 {offsets = [0, 0], sizes = [512, 128], strides = [1, 1]} : vector<512x2048xf32> to vector<512x128xf32>
      %slice3A_28 = vector.extract_strided_slice %max3A_27 {offsets = [0, 128], sizes = [512, 128], strides = [1, 1]} : vector<512x2048xf32> to vector<512x128xf32>
      %min3A = arith.minimumf %slice3A, %slice3A_28 : vector<512x128xf32>
      %slice3A_29 = vector.extract_strided_slice %max3A_27 {offsets = [0, 256], sizes = [512, 128], strides = [1, 1]} : vector<512x2048xf32> to vector<512x128xf32>
      %min3A_30 = arith.minimumf %min3A, %slice3A_29 : vector<512x128xf32>
      %slice3A_31 = vector.extract_strided_slice %max3A_27 {offsets = [0, 384], sizes = [512, 128], strides = [1, 1]} : vector<512x2048xf32> to vector<512x128xf32>
      %min3A_32 = arith.minimumf %min3A_30, %slice3A_31 : vector<512x128xf32>
      %slice3A_33 = vector.extract_strided_slice %max3A_27 {offsets = [0, 512], sizes = [512, 128], strides = [1, 1]} : vector<512x2048xf32> to vector<512x128xf32>
      %min3A_34 = arith.minimumf %min3A_32, %slice3A_33 : vector<512x128xf32>
      %slice3A_35 = vector.extract_strided_slice %max3A_27 {offsets = [0, 640], sizes = [512, 128], strides = [1, 1]} : vector<512x2048xf32> to vector<512x128xf32>
      %min3A_36 = arith.minimumf %min3A_34, %slice3A_35 : vector<512x128xf32>
      %slice3A_37 = vector.extract_strided_slice %max3A_27 {offsets = [0, 768], sizes = [512, 128], strides = [1, 1]} : vector<512x2048xf32> to vector<512x128xf32>
      %min3A_38 = arith.minimumf %min3A_36, %slice3A_37 : vector<512x128xf32>
      %slice3A_39 = vector.extract_strided_slice %max3A_27 {offsets = [0, 896], sizes = [512, 128], strides = [1, 1]} : vector<512x2048xf32> to vector<512x128xf32>
      %min3A_40 = arith.minimumf %min3A_38, %slice3A_39 : vector<512x128xf32>
      %slice3A_41 = vector.extract_strided_slice %max3A_27 {offsets = [0, 1024], sizes = [512, 128], strides = [1, 1]} : vector<512x2048xf32> to vector<512x128xf32>
      %min3A_42 = arith.minimumf %min3A_40, %slice3A_41 : vector<512x128xf32>
      %slice3A_43 = vector.extract_strided_slice %max3A_27 {offsets = [0, 1152], sizes = [512, 128], strides = [1, 1]} : vector<512x2048xf32> to vector<512x128xf32>
      %min3A_44 = arith.minimumf %min3A_42, %slice3A_43 : vector<512x128xf32>
      %slice3A_45 = vector.extract_strided_slice %max3A_27 {offsets = [0, 1280], sizes = [512, 128], strides = [1, 1]} : vector<512x2048xf32> to vector<512x128xf32>
      %min3A_46 = arith.minimumf %min3A_44, %slice3A_45 : vector<512x128xf32>
      %slice3A_47 = vector.extract_strided_slice %max3A_27 {offsets = [0, 1408], sizes = [512, 128], strides = [1, 1]} : vector<512x2048xf32> to vector<512x128xf32>
      %min3A_48 = arith.minimumf %min3A_46, %slice3A_47 : vector<512x128xf32>
      %slice3A_49 = vector.extract_strided_slice %max3A_27 {offsets = [0, 1536], sizes = [512, 128], strides = [1, 1]} : vector<512x2048xf32> to vector<512x128xf32>
      %min3A_50 = arith.minimumf %min3A_48, %slice3A_49 : vector<512x128xf32>
      %slice3A_51 = vector.extract_strided_slice %max3A_27 {offsets = [0, 1664], sizes = [512, 128], strides = [1, 1]} : vector<512x2048xf32> to vector<512x128xf32>
      %min3A_52 = arith.minimumf %min3A_50, %slice3A_51 : vector<512x128xf32>
      %slice3A_53 = vector.extract_strided_slice %max3A_27 {offsets = [0, 1792], sizes = [512, 128], strides = [1, 1]} : vector<512x2048xf32> to vector<512x128xf32>
      %min3A_54 = arith.minimumf %min3A_52, %slice3A_53 : vector<512x128xf32>
      %slice3A_55 = vector.extract_strided_slice %max3A_27 {offsets = [0, 1920], sizes = [512, 128], strides = [1, 1]} : vector<512x2048xf32> to vector<512x128xf32>
      %min3A_56 = arith.minimumf %min3A_54, %slice3A_55 : vector<512x128xf32>
      %reduce_min3A = arith.constant dense<0x7F800000> : vector<512xf32>
      %reduce_min3A_57 = vector.multi_reduction <minimumf>, %min3A_56, %reduce_min3A [1] : vector<512x128xf32> to vector<512xf32>
      %broadcast_in_dim3A = vector.shape_cast %reduce_min3A_57 : vector<512xf32> to vector<512x1xf32>
      %sub3A_58 = vector.broadcast %broadcast_in_dim3A : vector<512x1xf32> to vector<512x2048xf32>
      %sub3A_59 = arith.subf %max3A_27, %sub3A_58 : vector<512x2048xf32>
      %mul3A_60 = arith.constant -5.000000e-01 : f32
      %mul3A_61 = vector.broadcast %mul3A_60 : f32 to vector<512x2048xf32>
      %mul3A_62 = arith.mulf %mul3A_61, %sub3A_59 : vector<512x2048xf32>
      %exp3A = math.exp %mul3A_62 : vector<512x2048xf32>
      %iota3A = tpu.iota {dimensions = array<i32: 1>} : vector<512x2048xi32>
      %eq3A_63 = arith.constant 1.000000e+00 : f32
      %eq3A_64 = vector.broadcast %eq3A_63 : f32 to vector<512x2048xf32>
      %eq3A_65 = arith.cmpf oeq, %exp3A, %eq3A_64 : vector<512x2048xf32>
      %slice3A_66 = vector.extract_strided_slice %eq3A_65 {offsets = [0, 0], sizes = [512, 128], strides = [1, 1]} : vector<512x2048xi1> to vector<512x128xi1>
      %slice3A_67 = vector.extract_strided_slice %iota3A {offsets = [0, 0], sizes = [512, 128], strides = [1, 1]} : vector<512x2048xi32> to vector<512x128xi32>
      %jit3A = arith.constant 2147483647 : i32
      %broadcast_in_dim3A_68 = vector.broadcast %jit3A : i32 to vector<512x128xi32>
      %select_n3A = arith.select %slice3A_66, %slice3A_67, %broadcast_in_dim3A_68 : vector<512x128xi1>, vector<512x128xi32>
      %slice3A_69 = vector.extract_strided_slice %eq3A_65 {offsets = [0, 128], sizes = [512, 128], strides = [1, 1]} : vector<512x2048xi1> to vector<512x128xi1>
      %slice3A_70 = vector.extract_strided_slice %iota3A {offsets = [0, 128], sizes = [512, 128], strides = [1, 1]} : vector<512x2048xi32> to vector<512x128xi32>
      %jit3A_71 = arith.constant 2147483647 : i32
      %broadcast_in_dim3A_72 = vector.broadcast %jit3A_71 : i32 to vector<512x128xi32>
      %select_n3A_73 = arith.select %slice3A_69, %slice3A_70, %broadcast_in_dim3A_72 : vector<512x128xi1>, vector<512x128xi32>
      %min3A_74 = arith.minsi %select_n3A, %select_n3A_73 : vector<512x128xi32>
      %slice3A_75 = vector.extract_strided_slice %eq3A_65 {offsets = [0, 256], sizes = [512, 128], strides = [1, 1]} : vector<512x2048xi1> to vector<512x128xi1>
      %slice3A_76 = vector.extract_strided_slice %iota3A {offsets = [0, 256], sizes = [512, 128], strides = [1, 1]} : vector<512x2048xi32> to vector<512x128xi32>
      %jit3A_77 = arith.constant 2147483647 : i32
      %broadcast_in_dim3A_78 = vector.broadcast %jit3A_77 : i32 to vector<512x128xi32>
      %select_n3A_79 = arith.select %slice3A_75, %slice3A_76, %broadcast_in_dim3A_78 : vector<512x128xi1>, vector<512x128xi32>
      %min3A_80 = arith.minsi %min3A_74, %select_n3A_79 : vector<512x128xi32>
      %slice3A_81 = vector.extract_strided_slice %eq3A_65 {offsets = [0, 384], sizes = [512, 128], strides = [1, 1]} : vector<512x2048xi1> to vector<512x128xi1>
      %slice3A_82 = vector.extract_strided_slice %iota3A {offsets = [0, 384], sizes = [512, 128], strides = [1, 1]} : vector<512x2048xi32> to vector<512x128xi32>
      %jit3A_83 = arith.constant 2147483647 : i32
      %broadcast_in_dim3A_84 = vector.broadcast %jit3A_83 : i32 to vector<512x128xi32>
      %select_n3A_85 = arith.select %slice3A_81, %slice3A_82, %broadcast_in_dim3A_84 : vector<512x128xi1>, vector<512x128xi32>
      %min3A_86 = arith.minsi %min3A_80, %select_n3A_85 : vector<512x128xi32>
      %slice3A_87 = vector.extract_strided_slice %eq3A_65 {offsets = [0, 512], sizes = [512, 128], strides = [1, 1]} : vector<512x2048xi1> to vector<512x128xi1>
      %slice3A_88 = vector.extract_strided_slice %iota3A {offsets = [0, 512], sizes = [512, 128], strides = [1, 1]} : vector<512x2048xi32> to vector<512x128xi32>
      %jit3A_89 = arith.constant 2147483647 : i32
      %broadcast_in_dim3A_90 = vector.broadcast %jit3A_89 : i32 to vector<512x128xi32>
      %select_n3A_91 = arith.select %slice3A_87, %slice3A_88, %broadcast_in_dim3A_90 : vector<512x128xi1>, vector<512x128xi32>
      %min3A_92 = arith.minsi %min3A_86, %select_n3A_91 : vector<512x128xi32>
      %slice3A_93 = vector.extract_strided_slice %eq3A_65 {offsets = [0, 640], sizes = [512, 128], strides = [1, 1]} : vector<512x2048xi1> to vector<512x128xi1>
      %slice3A_94 = vector.extract_strided_slice %iota3A {offsets = [0, 640], sizes = [512, 128], strides = [1, 1]} : vector<512x2048xi32> to vector<512x128xi32>
      %jit3A_95 = arith.constant 2147483647 : i32
      %broadcast_in_dim3A_96 = vector.broadcast %jit3A_95 : i32 to vector<512x128xi32>
      %select_n3A_97 = arith.select %slice3A_93, %slice3A_94, %broadcast_in_dim3A_96 : vector<512x128xi1>, vector<512x128xi32>
      %min3A_98 = arith.minsi %min3A_92, %select_n3A_97 : vector<512x128xi32>
      %slice3A_99 = vector.extract_strided_slice %eq3A_65 {offsets = [0, 768], sizes = [512, 128], strides = [1, 1]} : vector<512x2048xi1> to vector<512x128xi1>
      %slice3A_100 = vector.extract_strided_slice %iota3A {offsets = [0, 768], sizes = [512, 128], strides = [1, 1]} : vector<512x2048xi32> to vector<512x128xi32>
      %jit3A_101 = arith.constant 2147483647 : i32
      %broadcast_in_dim3A_102 = vector.broadcast %jit3A_101 : i32 to vector<512x128xi32>
      %select_n3A_103 = arith.select %slice3A_99, %slice3A_100, %broadcast_in_dim3A_102 : vector<512x128xi1>, vector<512x128xi32>
      %min3A_104 = arith.minsi %min3A_98, %select_n3A_103 : vector<512x128xi32>
      %slice3A_105 = vector.extract_strided_slice %eq3A_65 {offsets = [0, 896], sizes = [512, 128], strides = [1, 1]} : vector<512x2048xi1> to vector<512x128xi1>
      %slice3A_106 = vector.extract_strided_slice %iota3A {offsets = [0, 896], sizes = [512, 128], strides = [1, 1]} : vector<512x2048xi32> to vector<512x128xi32>
      %jit3A_107 = arith.constant 2147483647 : i32
      %broadcast_in_dim3A_108 = vector.broadcast %jit3A_107 : i32 to vector<512x128xi32>
      %select_n3A_109 = arith.select %slice3A_105, %slice3A_106, %broadcast_in_dim3A_108 : vector<512x128xi1>, vector<512x128xi32>
      %min3A_110 = arith.minsi %min3A_104, %select_n3A_109 : vector<512x128xi32>
      %slice3A_111 = vector.extract_strided_slice %eq3A_65 {offsets = [0, 1024], sizes = [512, 128], strides = [1, 1]} : vector<512x2048xi1> to vector<512x128xi1>
      %slice3A_112 = vector.extract_strided_slice %iota3A {offsets = [0, 1024], sizes = [512, 128], strides = [1, 1]} : vector<512x2048xi32> to vector<512x128xi32>
      %jit3A_113 = arith.constant 2147483647 : i32
      %broadcast_in_dim3A_114 = vector.broadcast %jit3A_113 : i32 to vector<512x128xi32>
      %select_n3A_115 = arith.select %slice3A_111, %slice3A_112, %broadcast_in_dim3A_114 : vector<512x128xi1>, vector<512x128xi32>
      %min3A_116 = arith.minsi %min3A_110, %select_n3A_115 : vector<512x128xi32>
      %slice3A_117 = vector.extract_strided_slice %eq3A_65 {offsets = [0, 1152], sizes = [512, 128], strides = [1, 1]} : vector<512x2048xi1> to vector<512x128xi1>
      %slice3A_118 = vector.extract_strided_slice %iota3A {offsets = [0, 1152], sizes = [512, 128], strides = [1, 1]} : vector<512x2048xi32> to vector<512x128xi32>
      %jit3A_119 = arith.constant 2147483647 : i32
      %broadcast_in_dim3A_120 = vector.broadcast %jit3A_119 : i32 to vector<512x128xi32>
      %select_n3A_121 = arith.select %slice3A_117, %slice3A_118, %broadcast_in_dim3A_120 : vector<512x128xi1>, vector<512x128xi32>
      %min3A_122 = arith.minsi %min3A_116, %select_n3A_121 : vector<512x128xi32>
      %slice3A_123 = vector.extract_strided_slice %eq3A_65 {offsets = [0, 1280], sizes = [512, 128], strides = [1, 1]} : vector<512x2048xi1> to vector<512x128xi1>
      %slice3A_124 = vector.extract_strided_slice %iota3A {offsets = [0, 1280], sizes = [512, 128], strides = [1, 1]} : vector<512x2048xi32> to vector<512x128xi32>
      %jit3A_125 = arith.constant 2147483647 : i32
      %broadcast_in_dim3A_126 = vector.broadcast %jit3A_125 : i32 to vector<512x128xi32>
      %select_n3A_127 = arith.select %slice3A_123, %slice3A_124, %broadcast_in_dim3A_126 : vector<512x128xi1>, vector<512x128xi32>
      %min3A_128 = arith.minsi %min3A_122, %select_n3A_127 : vector<512x128xi32>
      %slice3A_129 = vector.extract_strided_slice %eq3A_65 {offsets = [0, 1408], sizes = [512, 128], strides = [1, 1]} : vector<512x2048xi1> to vector<512x128xi1>
      %slice3A_130 = vector.extract_strided_slice %iota3A {offsets = [0, 1408], sizes = [512, 128], strides = [1, 1]} : vector<512x2048xi32> to vector<512x128xi32>
      %jit3A_131 = arith.constant 2147483647 : i32
      %broadcast_in_dim3A_132 = vector.broadcast %jit3A_131 : i32 to vector<512x128xi32>
      %select_n3A_133 = arith.select %slice3A_129, %slice3A_130, %broadcast_in_dim3A_132 : vector<512x128xi1>, vector<512x128xi32>
      %min3A_134 = arith.minsi %min3A_128, %select_n3A_133 : vector<512x128xi32>
      %slice3A_135 = vector.extract_strided_slice %eq3A_65 {offsets = [0, 1536], sizes = [512, 128], strides = [1, 1]} : vector<512x2048xi1> to vector<512x128xi1>
      %slice3A_136 = vector.extract_strided_slice %iota3A {offsets = [0, 1536], sizes = [512, 128], strides = [1, 1]} : vector<512x2048xi32> to vector<512x128xi32>
      %jit3A_137 = arith.constant 2147483647 : i32
      %broadcast_in_dim3A_138 = vector.broadcast %jit3A_137 : i32 to vector<512x128xi32>
      %select_n3A_139 = arith.select %slice3A_135, %slice3A_136, %broadcast_in_dim3A_138 : vector<512x128xi1>, vector<512x128xi32>
      %min3A_140 = arith.minsi %min3A_134, %select_n3A_139 : vector<512x128xi32>
      %slice3A_141 = vector.extract_strided_slice %eq3A_65 {offsets = [0, 1664], sizes = [512, 128], strides = [1, 1]} : vector<512x2048xi1> to vector<512x128xi1>
      %slice3A_142 = vector.extract_strided_slice %iota3A {offsets = [0, 1664], sizes = [512, 128], strides = [1, 1]} : vector<512x2048xi32> to vector<512x128xi32>
      %jit3A_143 = arith.constant 2147483647 : i32
      %broadcast_in_dim3A_144 = vector.broadcast %jit3A_143 : i32 to vector<512x128xi32>
      %select_n3A_145 = arith.select %slice3A_141, %slice3A_142, %broadcast_in_dim3A_144 : vector<512x128xi1>, vector<512x128xi32>
      %min3A_146 = arith.minsi %min3A_140, %select_n3A_145 : vector<512x128xi32>
      %slice3A_147 = vector.extract_strided_slice %eq3A_65 {offsets = [0, 1792], sizes = [512, 128], strides = [1, 1]} : vector<512x2048xi1> to vector<512x128xi1>
      %slice3A_148 = vector.extract_strided_slice %iota3A {offsets = [0, 1792], sizes = [512, 128], strides = [1, 1]} : vector<512x2048xi32> to vector<512x128xi32>
      %jit3A_149 = arith.constant 2147483647 : i32
      %broadcast_in_dim3A_150 = vector.broadcast %jit3A_149 : i32 to vector<512x128xi32>
      %select_n3A_151 = arith.select %slice3A_147, %slice3A_148, %broadcast_in_dim3A_150 : vector<512x128xi1>, vector<512x128xi32>
      %min3A_152 = arith.minsi %min3A_146, %select_n3A_151 : vector<512x128xi32>
      %slice3A_153 = vector.extract_strided_slice %eq3A_65 {offsets = [0, 1920], sizes = [512, 128], strides = [1, 1]} : vector<512x2048xi1> to vector<512x128xi1>
      %slice3A_154 = vector.extract_strided_slice %iota3A {offsets = [0, 1920], sizes = [512, 128], strides = [1, 1]} : vector<512x2048xi32> to vector<512x128xi32>
      %jit3A_155 = arith.constant 2147483647 : i32
      %broadcast_in_dim3A_156 = vector.broadcast %jit3A_155 : i32 to vector<512x128xi32>
      %select_n3A_157 = arith.select %slice3A_153, %slice3A_154, %broadcast_in_dim3A_156 : vector<512x128xi1>, vector<512x128xi32>
      %min3A_158 = arith.minsi %min3A_152, %select_n3A_157 : vector<512x128xi32>
      %reduce_min3A_159 = arith.constant dense<2147483647> : vector<512xi32>
      %reduce_min3A_160 = vector.multi_reduction <minsi>, %min3A_158, %reduce_min3A_159 [1] : vector<512x128xi32> to vector<512xi32>
      %broadcast_in_dim3A_161 = vector.shape_cast %reduce_min3A_160 : vector<512xi32> to vector<512x1xi32>
      %get3A_162 = arith.constant 0 : index
      %get3A_163 = arith.constant 0 : index
      %get3A_164 = vector.load %arg2[%get3A_162, %get3A_163] : memref<512x1xi32, #tpu.memory_space<vmem>>, vector<512x1xi32>
      %convert_element_type3A_165 = arith.sitofp %get3A_164 : vector<512x1xi32> to vector<512x1xf32>
      %get3A_166 = arith.constant 0 : index
      %get3A_167 = arith.constant 0 : index
      %get3A_168 = vector.load %arg16[%get3A_166, %get3A_167] : memref<1x2048xf32, #tpu.memory_space<vmem>>, vector<1x2048xf32>
      %eq3A_169 = vector.broadcast %convert_element_type3A_165 : vector<512x1xf32> to vector<512x2048xf32>
      %eq3A_170 = vector.broadcast %get3A_168 : vector<1x2048xf32> to vector<512x2048xf32>
      %eq3A_171 = arith.cmpf oeq, %eq3A_169, %eq3A_170 : vector<512x2048xf32>
      %jit3A_172 = arith.constant 0.000000e+00 : f32
      %broadcast_in_dim3A_173 = vector.broadcast %jit3A_172 : f32 to vector<512x2048xf32>
      %select_n3A_174 = arith.select %eq3A_171, %exp3A, %broadcast_in_dim3A_173 : vector<512x2048xi1>, vector<512x2048xf32>
      %slice3A_175 = vector.extract_strided_slice %select_n3A_174 {offsets = [0, 0], sizes = [512, 128], strides = [1, 1]} : vector<512x2048xf32> to vector<512x128xf32>
      %slice3A_176 = vector.extract_strided_slice %select_n3A_174 {offsets = [0, 128], sizes = [512, 128], strides = [1, 1]} : vector<512x2048xf32> to vector<512x128xf32>
      %max3A_177 = arith.maximumf %slice3A_175, %slice3A_176 : vector<512x128xf32>
      %slice3A_178 = vector.extract_strided_slice %select_n3A_174 {offsets = [0, 256], sizes = [512, 128], strides = [1, 1]} : vector<512x2048xf32> to vector<512x128xf32>
      %max3A_179 = arith.maximumf %max3A_177, %slice3A_178 : vector<512x128xf32>
      %slice3A_180 = vector.extract_strided_slice %select_n3A_174 {offsets = [0, 384], sizes = [512, 128], strides = [1, 1]} : vector<512x2048xf32> to vector<512x128xf32>
      %max3A_181 = arith.maximumf %max3A_179, %slice3A_180 : vector<512x128xf32>
      %slice3A_182 = vector.extract_strided_slice %select_n3A_174 {offsets = [0, 512], sizes = [512, 128], strides = [1, 1]} : vector<512x2048xf32> to vector<512x128xf32>
      %max3A_183 = arith.maximumf %max3A_181, %slice3A_182 : vector<512x128xf32>
      %slice3A_184 = vector.extract_strided_slice %select_n3A_174 {offsets = [0, 640], sizes = [512, 128], strides = [1, 1]} : vector<512x2048xf32> to vector<512x128xf32>
      %max3A_185 = arith.maximumf %max3A_183, %slice3A_184 : vector<512x128xf32>
      %slice3A_186 = vector.extract_strided_slice %select_n3A_174 {offsets = [0, 768], sizes = [512, 128], strides = [1, 1]} : vector<512x2048xf32> to vector<512x128xf32>
      %max3A_187 = arith.maximumf %max3A_185, %slice3A_186 : vector<512x128xf32>
      %slice3A_188 = vector.extract_strided_slice %select_n3A_174 {offsets = [0, 896], sizes = [512, 128], strides = [1, 1]} : vector<512x2048xf32> to vector<512x128xf32>
      %max3A_189 = arith.maximumf %max3A_187, %slice3A_188 : vector<512x128xf32>
      %slice3A_190 = vector.extract_strided_slice %select_n3A_174 {offsets = [0, 1024], sizes = [512, 128], strides = [1, 1]} : vector<512x2048xf32> to vector<512x128xf32>
      %max3A_191 = arith.maximumf %max3A_189, %slice3A_190 : vector<512x128xf32>
      %slice3A_192 = vector.extract_strided_slice %select_n3A_174 {offsets = [0, 1152], sizes = [512, 128], strides = [1, 1]} : vector<512x2048xf32> to vector<512x128xf32>
      %max3A_193 = arith.maximumf %max3A_191, %slice3A_192 : vector<512x128xf32>
      %slice3A_194 = vector.extract_strided_slice %select_n3A_174 {offsets = [0, 1280], sizes = [512, 128], strides = [1, 1]} : vector<512x2048xf32> to vector<512x128xf32>
      %max3A_195 = arith.maximumf %max3A_193, %slice3A_194 : vector<512x128xf32>
      %slice3A_196 = vector.extract_strided_slice %select_n3A_174 {offsets = [0, 1408], sizes = [512, 128], strides = [1, 1]} : vector<512x2048xf32> to vector<512x128xf32>
      %max3A_197 = arith.maximumf %max3A_195, %slice3A_196 : vector<512x128xf32>
      %slice3A_198 = vector.extract_strided_slice %select_n3A_174 {offsets = [0, 1536], sizes = [512, 128], strides = [1, 1]} : vector<512x2048xf32> to vector<512x128xf32>
      %max3A_199 = arith.maximumf %max3A_197, %slice3A_198 : vector<512x128xf32>
      %slice3A_200 = vector.extract_strided_slice %select_n3A_174 {offsets = [0, 1664], sizes = [512, 128], strides = [1, 1]} : vector<512x2048xf32> to vector<512x128xf32>
      %max3A_201 = arith.maximumf %max3A_199, %slice3A_200 : vector<512x128xf32>
      %slice3A_202 = vector.extract_strided_slice %select_n3A_174 {offsets = [0, 1792], sizes = [512, 128], strides = [1, 1]} : vector<512x2048xf32> to vector<512x128xf32>
      %max3A_203 = arith.maximumf %max3A_201, %slice3A_202 : vector<512x128xf32>
      %slice3A_204 = vector.extract_strided_slice %select_n3A_174 {offsets = [0, 1920], sizes = [512, 128], strides = [1, 1]} : vector<512x2048xf32> to vector<512x128xf32>
      %max3A_205 = arith.maximumf %max3A_203, %slice3A_204 : vector<512x128xf32>
      %reduce_max3A = arith.constant dense<0xFF800000> : vector<512xf32>
      %reduce_max3A_206 = vector.multi_reduction <maximumf>, %max3A_205, %reduce_max3A [1] : vector<512x128xf32> to vector<512xf32>
      %broadcast_in_dim3A_207 = vector.shape_cast %reduce_max3A_206 : vector<512xf32> to vector<512x1xf32>
      %eq3A_208 = vector.broadcast %broadcast_in_dim3A_207 : vector<512x1xf32> to vector<512x2048xf32>
      %eq3A_209 = arith.cmpf oeq, %select_n3A_174, %eq3A_208 : vector<512x2048xf32>
      %slice3A_210 = vector.extract_strided_slice %eq3A_209 {offsets = [0, 0], sizes = [512, 128], strides = [1, 1]} : vector<512x2048xi1> to vector<512x128xi1>
      %slice3A_211 = vector.extract_strided_slice %iota3A {offsets = [0, 0], sizes = [512, 128], strides = [1, 1]} : vector<512x2048xi32> to vector<512x128xi32>
      %jit3A_212 = arith.constant 2147483647 : i32
      %broadcast_in_dim3A_213 = vector.broadcast %jit3A_212 : i32 to vector<512x128xi32>
      %select_n3A_214 = arith.select %slice3A_210, %slice3A_211, %broadcast_in_dim3A_213 : vector<512x128xi1>, vector<512x128xi32>
      %slice3A_215 = vector.extract_strided_slice %eq3A_209 {offsets = [0, 128], sizes = [512, 128], strides = [1, 1]} : vector<512x2048xi1> to vector<512x128xi1>
      %slice3A_216 = vector.extract_strided_slice %iota3A {offsets = [0, 128], sizes = [512, 128], strides = [1, 1]} : vector<512x2048xi32> to vector<512x128xi32>
      %jit3A_217 = arith.constant 2147483647 : i32
      %broadcast_in_dim3A_218 = vector.broadcast %jit3A_217 : i32 to vector<512x128xi32>
      %select_n3A_219 = arith.select %slice3A_215, %slice3A_216, %broadcast_in_dim3A_218 : vector<512x128xi1>, vector<512x128xi32>
      %min3A_220 = arith.minsi %select_n3A_214, %select_n3A_219 : vector<512x128xi32>
      %slice3A_221 = vector.extract_strided_slice %eq3A_209 {offsets = [0, 256], sizes = [512, 128], strides = [1, 1]} : vector<512x2048xi1> to vector<512x128xi1>
      %slice3A_222 = vector.extract_strided_slice %iota3A {offsets = [0, 256], sizes = [512, 128], strides = [1, 1]} : vector<512x2048xi32> to vector<512x128xi32>
      %jit3A_223 = arith.constant 2147483647 : i32
      %broadcast_in_dim3A_224 = vector.broadcast %jit3A_223 : i32 to vector<512x128xi32>
      %select_n3A_225 = arith.select %slice3A_221, %slice3A_222, %broadcast_in_dim3A_224 : vector<512x128xi1>, vector<512x128xi32>
      %min3A_226 = arith.minsi %min3A_220, %select_n3A_225 : vector<512x128xi32>
      %slice3A_227 = vector.extract_strided_slice %eq3A_209 {offsets = [0, 384], sizes = [512, 128], strides = [1, 1]} : vector<512x2048xi1> to vector<512x128xi1>
      %slice3A_228 = vector.extract_strided_slice %iota3A {offsets = [0, 384], sizes = [512, 128], strides = [1, 1]} : vector<512x2048xi32> to vector<512x128xi32>
      %jit3A_229 = arith.constant 2147483647 : i32
      %broadcast_in_dim3A_230 = vector.broadcast %jit3A_229 : i32 to vector<512x128xi32>
      %select_n3A_231 = arith.select %slice3A_227, %slice3A_228, %broadcast_in_dim3A_230 : vector<512x128xi1>, vector<512x128xi32>
      %min3A_232 = arith.minsi %min3A_226, %select_n3A_231 : vector<512x128xi32>
      %slice3A_233 = vector.extract_strided_slice %eq3A_209 {offsets = [0, 512], sizes = [512, 128], strides = [1, 1]} : vector<512x2048xi1> to vector<512x128xi1>
      %slice3A_234 = vector.extract_strided_slice %iota3A {offsets = [0, 512], sizes = [512, 128], strides = [1, 1]} : vector<512x2048xi32> to vector<512x128xi32>
      %jit3A_235 = arith.constant 2147483647 : i32
      %broadcast_in_dim3A_236 = vector.broadcast %jit3A_235 : i32 to vector<512x128xi32>
      %select_n3A_237 = arith.select %slice3A_233, %slice3A_234, %broadcast_in_dim3A_236 : vector<512x128xi1>, vector<512x128xi32>
      %min3A_238 = arith.minsi %min3A_232, %select_n3A_237 : vector<512x128xi32>
      %slice3A_239 = vector.extract_strided_slice %eq3A_209 {offsets = [0, 640], sizes = [512, 128], strides = [1, 1]} : vector<512x2048xi1> to vector<512x128xi1>
      %slice3A_240 = vector.extract_strided_slice %iota3A {offsets = [0, 640], sizes = [512, 128], strides = [1, 1]} : vector<512x2048xi32> to vector<512x128xi32>
      %jit3A_241 = arith.constant 2147483647 : i32
      %broadcast_in_dim3A_242 = vector.broadcast %jit3A_241 : i32 to vector<512x128xi32>
      %select_n3A_243 = arith.select %slice3A_239, %slice3A_240, %broadcast_in_dim3A_242 : vector<512x128xi1>, vector<512x128xi32>
      %min3A_244 = arith.minsi %min3A_238, %select_n3A_243 : vector<512x128xi32>
      %slice3A_245 = vector.extract_strided_slice %eq3A_209 {offsets = [0, 768], sizes = [512, 128], strides = [1, 1]} : vector<512x2048xi1> to vector<512x128xi1>
      %slice3A_246 = vector.extract_strided_slice %iota3A {offsets = [0, 768], sizes = [512, 128], strides = [1, 1]} : vector<512x2048xi32> to vector<512x128xi32>
      %jit3A_247 = arith.constant 2147483647 : i32
      %broadcast_in_dim3A_248 = vector.broadcast %jit3A_247 : i32 to vector<512x128xi32>
      %select_n3A_249 = arith.select %slice3A_245, %slice3A_246, %broadcast_in_dim3A_248 : vector<512x128xi1>, vector<512x128xi32>
      %min3A_250 = arith.minsi %min3A_244, %select_n3A_249 : vector<512x128xi32>
      %slice3A_251 = vector.extract_strided_slice %eq3A_209 {offsets = [0, 896], sizes = [512, 128], strides = [1, 1]} : vector<512x2048xi1> to vector<512x128xi1>
      %slice3A_252 = vector.extract_strided_slice %iota3A {offsets = [0, 896], sizes = [512, 128], strides = [1, 1]} : vector<512x2048xi32> to vector<512x128xi32>
      %jit3A_253 = arith.constant 2147483647 : i32
      %broadcast_in_dim3A_254 = vector.broadcast %jit3A_253 : i32 to vector<512x128xi32>
      %select_n3A_255 = arith.select %slice3A_251, %slice3A_252, %broadcast_in_dim3A_254 : vector<512x128xi1>, vector<512x128xi32>
      %min3A_256 = arith.minsi %min3A_250, %select_n3A_255 : vector<512x128xi32>
      %slice3A_257 = vector.extract_strided_slice %eq3A_209 {offsets = [0, 1024], sizes = [512, 128], strides = [1, 1]} : vector<512x2048xi1> to vector<512x128xi1>
      %slice3A_258 = vector.extract_strided_slice %iota3A {offsets = [0, 1024], sizes = [512, 128], strides = [1, 1]} : vector<512x2048xi32> to vector<512x128xi32>
      %jit3A_259 = arith.constant 2147483647 : i32
      %broadcast_in_dim3A_260 = vector.broadcast %jit3A_259 : i32 to vector<512x128xi32>
      %select_n3A_261 = arith.select %slice3A_257, %slice3A_258, %broadcast_in_dim3A_260 : vector<512x128xi1>, vector<512x128xi32>
      %min3A_262 = arith.minsi %min3A_256, %select_n3A_261 : vector<512x128xi32>
      %slice3A_263 = vector.extract_strided_slice %eq3A_209 {offsets = [0, 1152], sizes = [512, 128], strides = [1, 1]} : vector<512x2048xi1> to vector<512x128xi1>
      %slice3A_264 = vector.extract_strided_slice %iota3A {offsets = [0, 1152], sizes = [512, 128], strides = [1, 1]} : vector<512x2048xi32> to vector<512x128xi32>
      %jit3A_265 = arith.constant 2147483647 : i32
      %broadcast_in_dim3A_266 = vector.broadcast %jit3A_265 : i32 to vector<512x128xi32>
      %select_n3A_267 = arith.select %slice3A_263, %slice3A_264, %broadcast_in_dim3A_266 : vector<512x128xi1>, vector<512x128xi32>
      %min3A_268 = arith.minsi %min3A_262, %select_n3A_267 : vector<512x128xi32>
      %slice3A_269 = vector.extract_strided_slice %eq3A_209 {offsets = [0, 1280], sizes = [512, 128], strides = [1, 1]} : vector<512x2048xi1> to vector<512x128xi1>
      %slice3A_270 = vector.extract_strided_slice %iota3A {offsets = [0, 1280], sizes = [512, 128], strides = [1, 1]} : vector<512x2048xi32> to vector<512x128xi32>
      %jit3A_271 = arith.constant 2147483647 : i32
      %broadcast_in_dim3A_272 = vector.broadcast %jit3A_271 : i32 to vector<512x128xi32>
      %select_n3A_273 = arith.select %slice3A_269, %slice3A_270, %broadcast_in_dim3A_272 : vector<512x128xi1>, vector<512x128xi32>
      %min3A_274 = arith.minsi %min3A_268, %select_n3A_273 : vector<512x128xi32>
      %slice3A_275 = vector.extract_strided_slice %eq3A_209 {offsets = [0, 1408], sizes = [512, 128], strides = [1, 1]} : vector<512x2048xi1> to vector<512x128xi1>
      %slice3A_276 = vector.extract_strided_slice %iota3A {offsets = [0, 1408], sizes = [512, 128], strides = [1, 1]} : vector<512x2048xi32> to vector<512x128xi32>
      %jit3A_277 = arith.constant 2147483647 : i32
      %broadcast_in_dim3A_278 = vector.broadcast %jit3A_277 : i32 to vector<512x128xi32>
      %select_n3A_279 = arith.select %slice3A_275, %slice3A_276, %broadcast_in_dim3A_278 : vector<512x128xi1>, vector<512x128xi32>
      %min3A_280 = arith.minsi %min3A_274, %select_n3A_279 : vector<512x128xi32>
      %slice3A_281 = vector.extract_strided_slice %eq3A_209 {offsets = [0, 1536], sizes = [512, 128], strides = [1, 1]} : vector<512x2048xi1> to vector<512x128xi1>
      %slice3A_282 = vector.extract_strided_slice %iota3A {offsets = [0, 1536], sizes = [512, 128], strides = [1, 1]} : vector<512x2048xi32> to vector<512x128xi32>
      %jit3A_283 = arith.constant 2147483647 : i32
      %broadcast_in_dim3A_284 = vector.broadcast %jit3A_283 : i32 to vector<512x128xi32>
      %select_n3A_285 = arith.select %slice3A_281, %slice3A_282, %broadcast_in_dim3A_284 : vector<512x128xi1>, vector<512x128xi32>
      %min3A_286 = arith.minsi %min3A_280, %select_n3A_285 : vector<512x128xi32>
      %slice3A_287 = vector.extract_strided_slice %eq3A_209 {offsets = [0, 1664], sizes = [512, 128], strides = [1, 1]} : vector<512x2048xi1> to vector<512x128xi1>
      %slice3A_288 = vector.extract_strided_slice %iota3A {offsets = [0, 1664], sizes = [512, 128], strides = [1, 1]} : vector<512x2048xi32> to vector<512x128xi32>
      %jit3A_289 = arith.constant 2147483647 : i32
      %broadcast_in_dim3A_290 = vector.broadcast %jit3A_289 : i32 to vector<512x128xi32>
      %select_n3A_291 = arith.select %slice3A_287, %slice3A_288, %broadcast_in_dim3A_290 : vector<512x128xi1>, vector<512x128xi32>
      %min3A_292 = arith.minsi %min3A_286, %select_n3A_291 : vector<512x128xi32>
      %slice3A_293 = vector.extract_strided_slice %eq3A_209 {offsets = [0, 1792], sizes = [512, 128], strides = [1, 1]} : vector<512x2048xi1> to vector<512x128xi1>
      %slice3A_294 = vector.extract_strided_slice %iota3A {offsets = [0, 1792], sizes = [512, 128], strides = [1, 1]} : vector<512x2048xi32> to vector<512x128xi32>
      %jit3A_295 = arith.constant 2147483647 : i32
      %broadcast_in_dim3A_296 = vector.broadcast %jit3A_295 : i32 to vector<512x128xi32>
      %select_n3A_297 = arith.select %slice3A_293, %slice3A_294, %broadcast_in_dim3A_296 : vector<512x128xi1>, vector<512x128xi32>
      %min3A_298 = arith.minsi %min3A_292, %select_n3A_297 : vector<512x128xi32>
      %slice3A_299 = vector.extract_strided_slice %eq3A_209 {offsets = [0, 1920], sizes = [512, 128], strides = [1, 1]} : vector<512x2048xi1> to vector<512x128xi1>
      %slice3A_300 = vector.extract_strided_slice %iota3A {offsets = [0, 1920], sizes = [512, 128], strides = [1, 1]} : vector<512x2048xi32> to vector<512x128xi32>
      %jit3A_301 = arith.constant 2147483647 : i32
      %broadcast_in_dim3A_302 = vector.broadcast %jit3A_301 : i32 to vector<512x128xi32>
      %select_n3A_303 = arith.select %slice3A_299, %slice3A_300, %broadcast_in_dim3A_302 : vector<512x128xi1>, vector<512x128xi32>
      %min3A_304 = arith.minsi %min3A_298, %select_n3A_303 : vector<512x128xi32>
      %reduce_min3A_305 = arith.constant dense<2147483647> : vector<512xi32>
      %reduce_min3A_306 = vector.multi_reduction <minsi>, %min3A_304, %reduce_min3A_305 [1] : vector<512x128xi32> to vector<512xi32>
      %broadcast_in_dim3A_307 = vector.shape_cast %reduce_min3A_306 : vector<512xi32> to vector<512x1xi32>
      %slice3A_308 = vector.extract_strided_slice %exp3A {offsets = [0, 0], sizes = [512, 128], strides = [1, 1]} : vector<512x2048xf32> to vector<512x128xf32>
      %slice3A_309 = vector.extract_strided_slice %exp3A {offsets = [0, 128], sizes = [512, 128], strides = [1, 1]} : vector<512x2048xf32> to vector<512x128xf32>
      %add3A_310 = arith.addf %slice3A_308, %slice3A_309 : vector<512x128xf32>
      %slice3A_311 = vector.extract_strided_slice %exp3A {offsets = [0, 256], sizes = [512, 128], strides = [1, 1]} : vector<512x2048xf32> to vector<512x128xf32>
      %add3A_312 = arith.addf %add3A_310, %slice3A_311 : vector<512x128xf32>
      %slice3A_313 = vector.extract_strided_slice %exp3A {offsets = [0, 384], sizes = [512, 128], strides = [1, 1]} : vector<512x2048xf32> to vector<512x128xf32>
      %add3A_314 = arith.addf %add3A_312, %slice3A_313 : vector<512x128xf32>
      %slice3A_315 = vector.extract_strided_slice %exp3A {offsets = [0, 512], sizes = [512, 128], strides = [1, 1]} : vector<512x2048xf32> to vector<512x128xf32>
      %add3A_316 = arith.addf %add3A_314, %slice3A_315 : vector<512x128xf32>
      %slice3A_317 = vector.extract_strided_slice %exp3A {offsets = [0, 640], sizes = [512, 128], strides = [1, 1]} : vector<512x2048xf32> to vector<512x128xf32>
      %add3A_318 = arith.addf %add3A_316, %slice3A_317 : vector<512x128xf32>
      %slice3A_319 = vector.extract_strided_slice %exp3A {offsets = [0, 768], sizes = [512, 128], strides = [1, 1]} : vector<512x2048xf32> to vector<512x128xf32>
      %add3A_320 = arith.addf %add3A_318, %slice3A_319 : vector<512x128xf32>
      %slice3A_321 = vector.extract_strided_slice %exp3A {offsets = [0, 896], sizes = [512, 128], strides = [1, 1]} : vector<512x2048xf32> to vector<512x128xf32>
      %add3A_322 = arith.addf %add3A_320, %slice3A_321 : vector<512x128xf32>
      %slice3A_323 = vector.extract_strided_slice %exp3A {offsets = [0, 1024], sizes = [512, 128], strides = [1, 1]} : vector<512x2048xf32> to vector<512x128xf32>
      %add3A_324 = arith.addf %add3A_322, %slice3A_323 : vector<512x128xf32>
      %slice3A_325 = vector.extract_strided_slice %exp3A {offsets = [0, 1152], sizes = [512, 128], strides = [1, 1]} : vector<512x2048xf32> to vector<512x128xf32>
      %add3A_326 = arith.addf %add3A_324, %slice3A_325 : vector<512x128xf32>
      %slice3A_327 = vector.extract_strided_slice %exp3A {offsets = [0, 1280], sizes = [512, 128], strides = [1, 1]} : vector<512x2048xf32> to vector<512x128xf32>
      %add3A_328 = arith.addf %add3A_326, %slice3A_327 : vector<512x128xf32>
      %slice3A_329 = vector.extract_strided_slice %exp3A {offsets = [0, 1408], sizes = [512, 128], strides = [1, 1]} : vector<512x2048xf32> to vector<512x128xf32>
      %add3A_330 = arith.addf %add3A_328, %slice3A_329 : vector<512x128xf32>
      %slice3A_331 = vector.extract_strided_slice %exp3A {offsets = [0, 1536], sizes = [512, 128], strides = [1, 1]} : vector<512x2048xf32> to vector<512x128xf32>
      %add3A_332 = arith.addf %add3A_330, %slice3A_331 : vector<512x128xf32>
      %slice3A_333 = vector.extract_strided_slice %exp3A {offsets = [0, 1664], sizes = [512, 128], strides = [1, 1]} : vector<512x2048xf32> to vector<512x128xf32>
      %add3A_334 = arith.addf %add3A_332, %slice3A_333 : vector<512x128xf32>
      %slice3A_335 = vector.extract_strided_slice %exp3A {offsets = [0, 1792], sizes = [512, 128], strides = [1, 1]} : vector<512x2048xf32> to vector<512x128xf32>
      %add3A_336 = arith.addf %add3A_334, %slice3A_335 : vector<512x128xf32>
      %slice3A_337 = vector.extract_strided_slice %exp3A {offsets = [0, 1920], sizes = [512, 128], strides = [1, 1]} : vector<512x2048xf32> to vector<512x128xf32>
      %add3A_338 = arith.addf %add3A_336, %slice3A_337 : vector<512x128xf32>
      %reduce_sum3A = arith.constant dense<0.000000e+00> : vector<512xf32>
      %reduce_sum3A_339 = vector.multi_reduction <add>, %add3A_338, %reduce_sum3A [1] : vector<512x128xf32> to vector<512xf32>
      %broadcast_in_dim3A_340 = vector.shape_cast %reduce_sum3A_339 : vector<512xf32> to vector<512x1xf32>
      %add3A_341 = arith.constant 9.99999996E-13 : f32
      %add3A_342 = vector.broadcast %add3A_341 : f32 to vector<512x1xf32>
      %add3A_343 = arith.addf %broadcast_in_dim3A_340, %add3A_342 : vector<512x1xf32>
      %div3A = vector.broadcast %add3A_343 : vector<512x1xf32> to vector<512x2048xf32>
      %div3A_344 = arith.divf %exp3A, %div3A : vector<512x2048xf32>
      %get3A_345 = arith.constant 0 : index
      %get3A_346 = arith.constant 0 : index
      %get3A_347 = vector.load %arg17[%get3A_345, %get3A_346] : memref<2048x10xf32, #tpu.memory_space<vmem>>, vector<2048x10xf32>
      %dot_general3A_348 = arith.constant dense<0.000000e+00> : vector<512x10xf32>
      %dot_general3A_349 = tpu.matmul %div3A_344, %get3A_347, %dot_general3A_348 {dimension_numbers = #tpu.dot_dimension_numbers<[1], [0], [0], [1], [0, 0, 1, 1], [], []>, transpose_lhs_hint = false} : vector<512x2048xf32>, vector<2048x10xf32>, vector<512x10xf32> -> vector<512x10xf32>
      %reduce_max3A_350 = arith.constant dense<0xFF800000> : vector<512xf32>
      %reduce_max3A_351 = vector.multi_reduction <maximumf>, %dot_general3A_349, %reduce_max3A_350 [1] : vector<512x10xf32> to vector<512xf32>
      %broadcast_in_dim3A_352 = vector.shape_cast %reduce_max3A_351 : vector<512xf32> to vector<512x1xf32>
      %iota3A_353 = tpu.iota {dimensions = array<i32: 1>} : vector<512x10xi32>
      %eq3A_354 = vector.broadcast %broadcast_in_dim3A_352 : vector<512x1xf32> to vector<512x10xf32>
      %eq3A_355 = arith.cmpf oeq, %dot_general3A_349, %eq3A_354 : vector<512x10xf32>
      %jit3A_356 = arith.constant 2147483647 : i32
      %broadcast_in_dim3A_357 = vector.broadcast %jit3A_356 : i32 to vector<512x10xi32>
      %select_n3A_358 = arith.select %eq3A_355, %iota3A_353, %broadcast_in_dim3A_357 : vector<512x10xi1>, vector<512x10xi32>
      %reduce_min3A_359 = arith.constant dense<2147483647> : vector<512xi32>
      %reduce_min3A_360 = vector.multi_reduction <minsi>, %select_n3A_358, %reduce_min3A_359 [1] : vector<512x10xi32> to vector<512xi32>
      %broadcast_in_dim3A_361 = vector.shape_cast %reduce_min3A_360 : vector<512xi32> to vector<512x1xi32>
      %eq3A_362 = vector.broadcast %broadcast_in_dim3A_307 : vector<512x1xi32> to vector<512x2048xi32>
      %eq3A_363 = arith.cmpi eq, %eq3A_362, %iota3A : vector<512x2048xi32>
      %convert_element_type3A_364 = arith.extui %eq3A_363 : vector<512x2048xi1> to vector<512x2048xi32>
      %convert_element_type3A_365 = arith.sitofp %convert_element_type3A_364 : vector<512x2048xi32> to vector<512x2048xf32>
      %convert_element_type3A_366 = arith.truncf %convert_element_type3A_365 : vector<512x2048xf32> to vector<512x2048xbf16>
      %get3A_367 = arith.constant 0 : index
      %get3A_368 = arith.constant 0 : index
      %get3A_369 = vector.load %arg18[%get3A_367, %get3A_368] : memref<1x2048xf32, #tpu.memory_space<vmem>>, vector<1x2048xf32>
      %broadcast_in_dim3A_370 = arith.constant 1.000000e+00 : bf16
      %broadcast_in_dim3A_371 = vector.broadcast %broadcast_in_dim3A_370 : bf16 to vector<1x512xbf16>
      %dot_general3A_372 = arith.constant dense<0.000000e+00> : vector<1x2048xf32>
      %dot_general3A_373 = tpu.matmul %broadcast_in_dim3A_371, %convert_element_type3A_366, %dot_general3A_372 {dimension_numbers = #tpu.dot_dimension_numbers<[1], [0], [0], [1], [0, 0, 1, 1], [], []>, transpose_lhs_hint = false} : vector<1x512xbf16>, vector<512x2048xbf16>, vector<1x2048xf32> -> vector<1x2048xf32>
      %add3A_374 = arith.addf %get3A_369, %dot_general3A_373 : vector<1x2048xf32>
      %swap3A = arith.constant 0 : index
      %swap3A_375 = arith.constant 0 : index
      %swap3A_376 = vector.load %arg18[%swap3A, %swap3A_375] : memref<1x2048xf32, #tpu.memory_space<vmem>>, vector<1x2048xf32>
      tpu.vector_store %arg18[%swap3A, %swap3A_375], %add3A_374 {strides = array<i32>} : memref<1x2048xf32, #tpu.memory_space<vmem>>, vector<1x2048xf32>,
      %squeeze3A = vector.shape_cast %broadcast_in_dim3A_307 : vector<512x1xi32> to vector<512xi32>
      %mul3A_377 = arith.constant 512 : i32
      %mul3A_378 = arith.muli %arg0, %mul3A_377 : i32
      %swap3A_379 = arith.index_cast %mul3A_378 : i32 to index
      %swap3A_380 = vector.load %arg10[%swap3A_379] : memref<1024xi32, #tpu.memory_space<vmem>>, vector<512xi32>
      tpu.vector_store %arg10[%swap3A_379], %squeeze3A {strides = array<i32>} : memref<1024xi32, #tpu.memory_space<vmem>>, vector<512xi32>,
      %mul3A_381 = arith.constant 512 : i32
      %mul3A_382 = arith.muli %arg0, %mul3A_381 : i32
      %swap3A_383 = arith.index_cast %mul3A_382 : i32 to index
      %swap3A_384 = arith.constant 0 : index
      %swap3A_385 = vector.load %arg7[%swap3A_383, %swap3A_384] : memref<1024x10xf32, #tpu.memory_space<vmem>>, vector<512x10xf32>
      tpu.vector_store %arg7[%swap3A_383, %swap3A_384], %dot_general3A_349 {strides = array<i32>} : memref<1024x10xf32, #tpu.memory_space<vmem>>, vector<512x10xf32>,
      %squeeze3A_386 = vector.shape_cast %broadcast_in_dim3A_361 : vector<512x1xi32> to vector<512xi32>
      %mul3A_387 = arith.constant 512 : i32
      %mul3A_388 = arith.muli %arg0, %mul3A_387 : i32
      %swap3A_389 = arith.index_cast %mul3A_388 : i32 to index
      %swap3A_390 = vector.load %arg8[%swap3A_389] : memref<1024xi32, #tpu.memory_space<vmem>>, vector<512xi32>
      tpu.vector_store %arg8[%swap3A_389], %squeeze3A_386 {strides = array<i32>} : memref<1024xi32, #tpu.memory_space<vmem>>, vector<512xi32>,
      %squeeze3A_391 = vector.shape_cast %broadcast_in_dim3A_161 : vector<512x1xi32> to vector<512xi32>
      %mul3A_392 = arith.constant 512 : i32
      %mul3A_393 = arith.muli %arg0, %mul3A_392 : i32
      %swap3A_394 = arith.index_cast %mul3A_393 : i32 to index
      %swap3A_395 = vector.load %arg9[%swap3A_394] : memref<1024xi32, #tpu.memory_space<vmem>>, vector<512xi32>
      tpu.vector_store %arg9[%swap3A_394], %squeeze3A_391 {strides = array<i32>} : memref<1024xi32, #tpu.memory_space<vmem>>, vector<512xi32>,
    } else {
    }
    %eq3A_6 = arith.constant 2 : i32
    %eq3A_7 = arith.cmpi eq, %arg0, %eq3A_6 : i32
    %convert_element_type3A_8 = arith.extui %eq3A_7 : i1 to i32
    %cond3A_9 = arith.constant 0 : i32
    %cond3A_10 = arith.cmpi ne, %convert_element_type3A_8, %cond3A_9 : i32
    scf.if %cond3A_10 {
      %get3A = arith.constant 0 : index
      %get3A_11 = vector.load %arg3[%get3A] : memref<2000xf32, #tpu.memory_space<vmem>>, vector<2000xf32>
      %get3A_12 = arith.constant 0 : index
      %get3A_13 = arith.constant 0 : index
      %get3A_14 = vector.load %arg18[%get3A_12, %get3A_13] : memref<1x2048xf32, #tpu.memory_space<vmem>>, vector<1x2000xf32>
      %get3A_15 = vector.shape_cast %get3A_14 : vector<1x2000xf32> to vector<2000xf32>
      %add3A = arith.addf %get3A_11, %get3A_15 : vector<2000xf32>
      %swap3A = arith.constant 0 : index
      %swap3A_16 = vector.load %arg11[%swap3A] : memref<2000xf32, #tpu.memory_space<vmem>>, vector<2000xf32>
      tpu.vector_store %arg11[%swap3A], %add3A {strides = array<i32>} : memref<2000xf32, #tpu.memory_space<vmem>>, vector<2000xf32>,
      %div3A = arith.constant 1.000000e+00 : f32
      %div3A_17 = vector.broadcast %div3A : f32 to vector<2000xf32>
      %div3A_18 = arith.divf %div3A_17, %add3A : vector<2000xf32>
      %broadcast_in_dim3A = vector.shape_cast %div3A_18 : vector<2000xf32> to vector<2000x1xf32>
      %broadcast_in_dim3A_19 = vector.shape_cast %broadcast_in_dim3A : vector<2000x1xf32> to vector<2000x1xf32>
      %broadcast_in_dim3A_20 = vector.broadcast %broadcast_in_dim3A_19 : vector<2000x1xf32> to vector<2000x128xf32>
      %swap3A_21 = arith.constant 0 : index
      %swap3A_22 = arith.constant 0 : index
      %swap3A_23 = vector.load %arg12[%swap3A_21, %swap3A_22] : memref<2000x128xf32, #tpu.memory_space<vmem>>, vector<2000x128xf32>
      tpu.vector_store %arg12[%swap3A_21, %swap3A_22], %broadcast_in_dim3A_20 {strides = array<i32>} : memref<2000x128xf32, #tpu.memory_space<vmem>>, vector<2000x128xf32>,
    } else {
    }
    return
  }
  func.func @transform_0(%arg0: i32) -> (i32, i32) {
    %min3A = arith.constant 1 : i32
    %min3A_0 = arith.minsi %arg0, %min3A : i32
    %c0_i32 = arith.constant 0 : i32
    %c0_i32_1 = arith.constant 0 : i32
    return %min3A_0, %c0_i32 : i32, i32
  }
  func.func @transform_1(%arg0: i32) -> (i32, i32) {
    %min3A = arith.constant 1 : i32
    %min3A_0 = arith.minsi %arg0, %min3A : i32
    %c0_i32 = arith.constant 0 : i32
    %c0_i32_1 = arith.constant 0 : i32
    return %min3A_0, %c0_i32 : i32, i32
  }
  func.func @transform_2(%arg0: i32) -> i32 {
    %c0_i32 = arith.constant 0 : i32
    %c0_i32_0 = arith.constant 0 : i32
    return %c0_i32 : i32
  }
  func.func @transform_3(%arg0: i32) -> (i32, i32) {
    %c0_i32 = arith.constant 0 : i32
    %c0_i32_0 = arith.constant 0 : i32
    %c0_i32_1 = arith.constant 0 : i32
    return %c0_i32, %c0_i32_0 : i32, i32
  }
  func.func @transform_4(%arg0: i32) -> (i32, i32) {
    %c0_i32 = arith.constant 0 : i32
    %c0_i32_0 = arith.constant 0 : i32
    %c0_i32_1 = arith.constant 0 : i32
    return %c0_i32, %c0_i32_0 : i32, i32
  }
  func.func @transform_5(%arg0: i32) -> (i32, i32) {
    %c0_i32 = arith.constant 0 : i32
    %c0_i32_0 = arith.constant 0 : i32
    %c0_i32_1 = arith.constant 0 : i32
    return %c0_i32, %c0_i32_0 : i32, i32
  }
  func.func @transform_6(%arg0: i32) -> (i32, i32) {
    %c0_i32 = arith.constant 0 : i32
    %c0_i32_0 = arith.constant 0 : i32
    %c0_i32_1 = arith.constant 0 : i32
    return %c0_i32, %c0_i32_0 : i32, i32
  }
  func.func @transform_7(%arg0: i32) -> i32 {
    %c0_i32 = arith.constant 0 : i32
    %c0_i32_0 = arith.constant 0 : i32
    return %c0_i32 : i32
  }
  func.func @transform_8(%arg0: i32) -> i32 {
    %c0_i32 = arith.constant 0 : i32
    %c0_i32_0 = arith.constant 0 : i32
    return %c0_i32 : i32
  }
  func.func @transform_9(%arg0: i32) -> i32 {
    %c0_i32 = arith.constant 0 : i32
    %c0_i32_0 = arith.constant 0 : i32
    return %c0_i32 : i32
  }
  func.func @transform_10(%arg0: i32) -> i32 {
    %c0_i32 = arith.constant 0 : i32
    %c0_i32_0 = arith.constant 0 : i32
    return %c0_i32 : i32
  }
  func.func @transform_11(%arg0: i32) -> (i32, i32) {
    %c0_i32 = arith.constant 0 : i32
    %c0_i32_0 = arith.constant 0 : i32
    %c0_i32_1 = arith.constant 0 : i32
    return %c0_i32, %c0_i32_0 : i32, i32
  }
}

</mosaic_0001>

<sc_bundles>
// kernel: kernel.4.cloned.1.call-start
scs
__scs_entry_jumppad:
0x0: {  	(pc) =	sbr.rel $0x88, $3  }
0x1: {  	(tag) =	ssettag $0x0;
	lr =	simm.s32 $0x1  }
0x2: {  	[smem:$0x3F9B] =	sst lr;
	_ =	strace $0xD0000000  }
0x3: {  	_ = 	snop  }
0x4: {  	_ = 	snop  }
0x5: {  	_ = 	snop  }
0x6: {  	_ = 	snop  }
0x7: {  	_ = 	snop  }
__scs_overlays_trampoline_lowered:
0x8: {  	[smem:$0x3FAA] =	sst s0  }
0x9: {  	[smem:$0x3FAB] =	sst s1  }
0xa: {  	[smem:$0x3FAC] =	sst s2  }
0xb: {  	[smem:$0x3FAD] =	sst s3  }
0xc: {  	[smem:$0x3FAE] =	sst s4  }
0xd: {  	[smem:$0x3FAF] =	sst s5  }
0xe: {  	[smem:$0x3FB0] =	sst s6  }
0xf: {  	[smem:$0x3FB1] =	sst s7  }
0x10: {  	[smem:$0x3FB2] =	sst s8  }
0x11: {  	[smem:$0x3FB3] =	sst s9;
	s0 =	simm.s32 @!p0 $0x0  }
0x12: {  	s1 =	sld [smem:$0x3F99];
	s0 =	simm.s32 @p0 $0x1  }
0x13: {  	[smem:$0x3FB4] =	sst s0;
	s0 =	simm.s32 @!p1 $0x0  }
0x14: {  	s2 =	sld [smem:$0x3F98];
	s0 =	simm.s32 @p1 $0x1  }
0x15: {  	[smem:$0x3FB5] =	sst s0;
	s0 =	simm.s32 @!p2 $0x0  }
0x16: {  	s3 =	sld [smem:$0x3FDB];
	s0 =	simm.s32 @p2 $0x1  }
0x17: {  	s4 =	simm.s32 $0x1BF5;
	[smem:$0x3FB7] =	sst s0  }
0x18: {  	s0 =	sld [smem:$0x3F9A];
	_ =	swait.ge [sflag:s4], $0x0  }
0x19: {  	s7 =	sld [smem:$0x3F9B]  }
0x1a: {  	s8 =	sadd.s32 $0xFFFFE003, lr  }
0x1b: {  	s9 =	sadd.s32 $0xFFFFFEF7, lr;
	s5 =	simm.s32 $0xFFFFFFFF;
	p2 =	slt.u32 s8, $0xFFFFF086  }
0x1c: {  	p1 =	slt.u32 s9, $0xF7A;
	s5 =	simm.s32 @!p2 $0x0  }
0x1d: {  	s5 =	simm.s32 @p1 $0x1;
	p0 =	seq.s32 s7, s2  }
0x1e: {  	s7 =	smul.u32 @!p0 $0xF7A, s2;
	p2 =	seq.s32 @!p0 s5, $0x0  }
0x1f: {  	s9 =	smul.u32 $0xF7A, s1;
	s8 =	simm.s32 @!p0 $0x1BF5;
	p2 =	por !p2, p0  }
0x20: {  	[sflag:s8] =	ssyncset.s32 @!p0 $0xFFFFF086;
	s6 =	sadd.s32 @!p0 s3, s7;
	s7 =	simm.s32 @!p0 $0x108  }
0x21: {  	s3 =	sadd.s32 s3, s9;
	s6 =	sadd.s32 @!p0 $0x88, s6;
	s7 =	simm.s32 @p2 $0x1082  }
0x22: {  	[simem:s7], [sflag:s8] =	dma.local @!p0 [hbm:s6], $0xF7A  }
0x23: {  	s9 =	sor.u32 $0xD0000000, s2;
	s6 =	simm.s32 $0x108;
	_ =	swait.ge @!p0 [sflag:s8], $0x0  }
0x24: {  	s3 =	sadd.s32 $0x88, s3;
	s6 =	simm.s32 @!p1 $0x1082;
	[sflag:s4] =	ssyncset.s32 $0xFFFFF086  }
0x25: {  	[simem:s6], [sflag:s4] =	dma.local [hbm:s3], $0xF7A  }
0x26: {  	[smem:$0x3F9B] =	sst s1;
	(tag) =	ssettag s2;
	_ =	strace s9  }
0x27: {  	s1 =	sld [smem:$0x3FAB]  }
0x28: {  	s2 =	sld [smem:$0x3FAC]  }
0x29: {  	s4 =	sld [smem:$0x3FAE]  }
0x2a: {  	p0 =	seq.s32 s5, $0x0;
	s5 =	sld [smem:$0x3FAF]  }
0x2b: {  	s6 =	sld [smem:$0x3FB0]  }
0x2c: {  	s7 =	sld [smem:$0x3FB1]  }
0x2d: {  	s3 =	simm.s32 $0x108;
	s8 =	sld [smem:$0x3FB2]  }
0x2e: {  	s3 =	simm.s32 @!p0 $0x1082;
	s9 =	sld [smem:$0x3FB3]  }
0x2f: {  	lr =	sadd.s32 s0, s3;
	s0 =	sld [smem:$0x3FAA]  }
0x30: {  	s3 =	sld [smem:$0x3FAD]  }
0x31: {  	[smem:$0x3FB6] =	sst s10  }
0x32: {  	s10 =	sld [smem:$0x3FB4];
	_ =	sdelay $0x3  }
0x33: {  	p0 =	seq.s32 s10, $0x1;
	s10 =	sld [smem:$0x3FB6];
	_ =	sdelay $0x3  }
0x34: {  	[smem:$0x3FB6] =	sst s10  }
0x35: {  	s10 =	sld [smem:$0x3FB5];
	_ =	sdelay $0x3  }
0x36: {  	p1 =	seq.s32 s10, $0x1;
	s10 =	sld [smem:$0x3FB6];
	_ =	sdelay $0x3  }
0x37: {  	[smem:$0x3FB6] =	sst s10  }
0x38: {  	s10 =	sld [smem:$0x3FB7]  }
0x39: {  	_ = 	snop;
	(pc) =	sbr.ind lr, $3  }
0x3a: {  	_ = 	snop  }
0x3b: {  	_ = 	snop  }
0x3c: {  	p2 =	seq.s32 s10, $0x1;
	s10 =	sld [smem:$0x3FB6]  }
0x3d: {  	_ =	shalt  }
0x3e: {  	_ =	shalt  }
0x3f: {  	_ =	shalt  }
0x40: {  	_ =	shalt  }
0x41: {  	_ =	shalt  }
0x42: {  	_ =	shalt  }
0x43: {  	_ =	shalt  }
0x44: {  	_ =	shalt  }
0x45: {  	_ =	shalt  }
0x46: {  	_ =	shalt  }
0x47: {  	_ =	shalt  }
0x48: {  	_ =	shalt  }
0x49: {  	_ =	shalt  }
0x4a: {  	_ =	shalt  }
0x4b: {  	_ =	shalt  }
0x4c: {  	_ =	shalt  }
0x4d: {  	_ =	shalt  }
0x4e: {  	_ =	shalt  }
0x4f: {  	_ =	shalt  }
0x50: {  	_ =	shalt  }
0x51: {  	_ =	shalt  }
0x52: {  	_ =	shalt  }
0x53: {  	_ =	shalt  }
0x54: {  	_ =	shalt  }
0x55: {  	_ =	shalt  }
0x56: {  	_ =	shalt  }
0x57: {  	_ =	shalt  }
0x58: {  	_ =	shalt  }
0x59: {  	_ =	shalt  }
0x5a: {  	_ =	shalt  }
0x5b: {  	_ =	shalt  }
0x5c: {  	_ =	shalt  }
0x5d: {  	_ =	shalt  }
0x5e: {  	_ =	shalt  }
0x5f: {  	_ =	shalt  }
0x60: {  	_ =	shalt  }
0x61: {  	_ =	shalt  }
0x62: {  	_ =	shalt  }
0x63: {  	_ =	shalt  }
0x64: {  	_ =	shalt  }
0x65: {  	_ =	shalt  }
0x66: {  	_ =	shalt  }
0x67: {  	_ =	shalt  }
0x68: {  	_ =	shalt  }
0x69: {  	_ =	shalt  }
0x6a: {  	_ =	shalt  }
0x6b: {  	_ =	shalt  }
0x6c: {  	_ =	shalt  }
0x6d: {  	_ =	shalt  }
0x6e: {  	_ =	shalt  }
0x6f: {  	_ =	shalt  }
0x70: {  	_ =	shalt  }
0x71: {  	_ =	shalt  }
0x72: {  	_ =	shalt  }
0x73: {  	_ =	shalt  }
0x74: {  	_ =	shalt  }
0x75: {  	_ =	shalt  }
0x76: {  	_ =	shalt  }
0x77: {  	_ =	shalt  }
0x78: {  	_ =	shalt  }
0x79: {  	_ =	shalt  }
0x7a: {  	_ =	shalt  }
0x7b: {  	_ =	shalt  }
0x7c: {  	_ =	shalt  }
0x7d: {  	_ =	shalt  }
0x7e: {  	_ =	shalt  }
0x7f: {  	_ =	shalt  }
0x80: {  	_ =	shalt  }
0x81: {  	_ =	shalt  }
0x82: {  	_ =	shalt  }
0x83: {  	_ =	shalt  }
0x84: {  	_ =	shalt  }
0x85: {  	_ =	shalt  }
0x86: {  	_ =	shalt  }
0x87: {  	_ =	shalt  }
.Lfunc_end0:
.L_simem_size_0:
called_computation_lowered:
.L_overlay_start_0:
0x88: {  	s2 =	sld [smem:$0x3FD9]  }
0x89: {  	s3 =	sld [smem:$0x3FFE];
	_ =	sdelay $0x1  }
0x8a: {  	s1 =	srdreg.scid  }
0x8b: {  	s0 =	sand.u32 $0x1, s1  }
0x8c: {  	s14 =	sshll.u32 s0, $0xA;
	s2 =	sadd.s32 s3, s2  }
0x8d: {  	s2 =	sadd.s32 s2, s14  }
0x8e: {  	[smem:$0x3FC2] =	sst s2  }
0x8f: {  	_ = 	snop  }
0x90: {  	s2 =	sld [smem:$0x3FD0]  }
0x91: {  	s15 =	sld [smem:$0x3FC9]  }
0x92: {  	s4 =	sld [smem:$0x3FC6]  }
0x93: {  	s6 =	simm.s32 $0xA;
	s7 =	simm.s32 $0x10;
	s5 =	sld [smem:$0x3FC5]  }
0x94: {  	[smem:s7], [sflag:s6] =	dma.local [hbm:s2], $0x1  }
0x95: {  	_ =	swait.eq [sflag:s6], $0x1  }
0x96: {  	[sflag:s6] =	ssyncset.done $0x0  }
0x97: {  	s16 =	sld [smem:$0x14];
	[sflag:s6] =	ssyncadd.s32 $0xFFFFFFFF  }
0x98: {  	s17 =	sld [smem:$0x15];
	(tm) =	ssettm $0x1  }
0x99: {  	s18 =	sld [smem:$0x3FFB];
	_ =	sdelay $0x3  }
0x9a: {  	_ =	strace s18  }
0x9b: {  	s7 =	sld [smem:$0x3FFC];
	_ =	sdelay $0x3  }
0x9c: {  	_ =	strace s7  }
0x9d: {  	s7 =	sld [smem:$0x3FFD];
	_ =	sdelay $0x3  }
0x9e: {  	_ =	strace s7  }
0x9f: {  	_ =	strace $0x8FFFFFFF  }
0xa0: {  	s19 =	sld [smem:$0x3FDB];
	_ =	sdelay $0x1  }
0xa1: {  	s8 =	simm.s32 $_scs_section_size  }
0xa2: {  	s9 =	simm.s32 $_size__tile_overlayer_lowered;
	s10 =	simm.s32 $_tile_overlayer_lowered  }
0xa3: {  	s22 =	simm.s32 $0x1BFF;
	s21 =	sshll.u32 s10, $0x1;
	s7 =	sadd.s32 s8, s19  }
0xa4: {  	s11 =	simm.s32 $0x0;
	s20 =	sshll.u32 s9, $0x1;
	s9 =	sadd.s32 s21, s7  }
0xa5: {  	[timem:s11], [sflag:s22] =	dma.local [hbm:s9], s20  }
0xa6: {  	_ =	swait.ge [sflag:s22], s20  }
0xa7: {  	s8 =	ssub.s32 $0x0, s20;
	[sflag:s22] =	ssyncset.done $0x0  }
0xa8: {  	[sflag:s22] =	ssyncadd.s32 s8;
	_ =	sdelay $0x1  }
0xa9: {  	s23 =	simm.s32 $0x1B8B  }
0xaa: {  	_ =	swait.ge [sflag:s23], $0x1  }
0xab: {  	[sflag:s23] =	ssyncset.done $0x0  }
0xac: {  	s25 =	simm.s32 $0x1B8E;
	s24 =	sld [smem:$0x3FFE];
	[sflag:s23] =	ssyncadd.s32 $0xFFFFFFFF  }
0xad: {  	s26 =	simm.s32 $execute0_lowered;
	[smem:$0x3FD2] =	sst s25  }
0xae: {  	s9 =	sshll.u32 s26, $0x1;
	_ =	strace $0x80000046;
	[dreg:$0x1] =	wrdreg $0xFFFFFFFF  }
0xaf: {  	s28 =	simm.s32 $_size_execute0_lowered;
	s7 =	sadd.s32 s7, s9;
	[dreg:$0x0] =	wrdreg $0x0  }
0xb0: {  	s9 =	sshll.u32 s28, $0x1;
	[dreg:$0x2] =	wrdreg s7  }
0xb1: {  	[dreg:$0x3] =	wrdreg s9  }
0xb2: {  	[dreg:$0x4] =	wrdreg $0xC0  }
0xb3: {  	_ =	task [dreg:s11], $0x5FFFF  }
0xb4: {  	[dreg:$0x1] =	wrdreg $0xFFFFFFFF  }
0xb5: {  	[dreg:$0x0] =	wrdreg $0x60  }
0xb6: {  	[dreg:$0x2] =	wrdreg s15  }
0xb7: {  	[dreg:$0x3] =	wrdreg s24  }
0xb8: {  	[dreg:$0x4] =	wrdreg s4  }
0xb9: {  	[dreg:$0x5] =	wrdreg s5  }
0xba: {  	[dreg:$0x6] =	wrdreg s16  }
0xbb: {  	[dreg:$0x7] =	wrdreg s17  }
0xbc: {  	[dreg:$0x8] =	wrdreg $0x80800  }
0xbd: {  	[dreg:$0x9] =	wrdreg $0x9  }
0xbe: {  	_ =	task.clear_ibuf [dreg:s11], $0xAFFFF;
	_ =	strace $0x90000046  }
0xbf: {  	s29 =	simm.s32 $0x9;
	_ =	strace $0x80000048  }
0xc0: {  	_ =	swait.ge [sflag:s29], $0x1  }
0xc1: {  	[sflag:s29] =	ssyncadd.s32 $0xFFFFFFFF  }
0xc2: {  	_ =	strace $0x90000048  }
0xc3: {  	_ =	sfence  }
0xc4: {  	s30 =	sld [smem:$0x0];
	_ =	sdelay $0x2  }
0xc5: {  	s31 =	sshll.u32 s1, $0xD;
	s1 =	sshrl.u32 s1, $0x2  }
0xc6: {  	s3 =	sand.u32 $0x4000, s31;
	s1 =	sadd.s32 s1, s30  }
0xc7: {  	s0 =	sor.u32 s3, s0;
	s1 =	sshll.u32 s1, $0x11  }
0xc8: {  	s0 =	sor.u32 s1, s0  }
0xc9: {  	s0 =	sadd.s32 $0x8F2B, s0  }
0xca: {  	[sflag:s0] =	ssyncadd.remote.s32 $0x1  }
0xcb: {  	_ =	sfence.sel $0xFFFF  }
0xcc: {  	[dreg:$0x0] =	wrdreg $0xFFFFFFFF;
	(pc) =	sbr.abs _section_cstart, $3  }
0xcd: {  	[dreg:$0x1] =	wrdreg $0xFFFFFFFF  }
0xce: {  	_ =	task.clear_ibuf [dreg:s11], $0x2FFFF;
	_ =	strace $0x9FFFFFFF  }
0xcf: {  	(tm) =	ssettm $0x7FFFFFFF  }
tec
execute0_lowered:
.L_overlay_start_1:
0x0: {  	(tag) =	ssettag $0x1  }
0x1: {  	s11 =	rddreg [dreg:$0x0]  }
0x2: {  	s7 =	rddreg [dreg:$0x1]  }
0x3: {  	s1 =	rddreg [dreg:$0x2]  }
0x4: {  	s10 =	rddreg [dreg:$0x3]  }
0x5: {  	s2 =	rddreg [dreg:$0x4]  }
0x6: {  	s3 =	rddreg [dreg:$0x5]  }
0x7: {  	s4 =	rddreg [dreg:$0x6]  }
0x8: {  	s0 =	rddreg [dreg:$0x7]  }
0x9: {  	s6 =	simm.s32 $0x0;
	s8 =	srdreg.scid;
	s5 =	stileid.u32  }
0xa: {  	s18 =	simm.s32 $0x80;
	s19 =	simm.s32 $0x40;
	s20 =	simm.s32 $0x2080  }
0xb: {  	s21 =	simm.s32 $0x6080;
	s22 =	simm.s32 $0x2;
	s23 =	simm.s32 $0x3  }
0xc: {  	s24 =	simm.s32 $0x4;
	s25 =	simm.s32 $0x1;
	s28 =	simm.s32 $0x0  }
0xd: {  	[smem:$0x7FF] =	sst s6;
	s14 =	sand.u32 $0x1, s8;
	s26 =	sshll.u32 s5, $0x3  }
0xe: {  	s13 =	sshll.u32 s5, $0x7;
	s31 =	sshll.u32 s5, $0xA;
	_ =	strace $0x80000047  }
0xf: {  	s9 =	ssub.s32 $0x2, s14;
	s8 =	sadd.s32 s26, s7;
	s7 =	sadd.s32 $0x1600, s7  }
0x10: {  	s29 =	smin.u32 s13, $0x750;
	s11 =	sadd.s32 s11, s31;
	p0 =	sne.s32 s14, $0x0  }
.Ltmp0:
0x11: {  	s14 =	simm.s32 $0x5;
	s26 =	simm.s32 $0x4080;
	(pc) =	sbr.rel .LBB2_1-.Ltmp0, $4  }
0x12: {  	s12 =	sshrl.u32 s9, $0x1;
	s8 =	sadd.s32 $0x9400, s8;
	s30 =	sshll.u32 s29, $0x7  }
0x13: {  	s15 =	ssub.s32 s9, s12;
	s9 =	sshll.u32 s29, $0x4;
	s17 =	sadd.s32 s30, s4  }
0x14: {  	s10 =	sadd.s32 s10, s9;
	s13 =	smax.u32 s15, $0x1;
	s15 =	sshll.u32 s5, $0x6  }
0x15: {  	s12 =	sadd.s32 s1, s9;
	s17 =	sshrl.u32 s17, $0x3;
	s16 =	sor.u32 $0x1C01, s15  }
.LBB2_7:
0x16: {  	v7 =	vld [tilespmem:s30+$0x20F0]  }
0x17: {  	v8 =	vld [tilespmem:s30+$0x80];
	[tilespmem:s29+$0x40B0] =	vst v5;
	v48 =	vmul.f32 v6, v6;
	v2 =	vsub.f32 v2, v3  }
0x18: {  	v49 =	vld [tilespmem:s30+$0x2080]  }
0x19: {  	v0 =	vsub.f32 v0, v4;
	v50 =	vld [tilespmem:s30+$0x90];
	[tilespmem:s29+$0x40C0] =	vst v48;
	v2 =	vmul.f32 v2, v2  }
0x1a: {  	v5 =	vld [tilespmem:s30+$0x2090]  }
0x1b: {  	v0 =	vmul.f32 v0, v0;
	v51 =	vld [tilespmem:s30+$0xA0];
	[tilespmem:s29+$0x40D0] =	vst v2  }
0x1c: {  	v2 =	vld [tilespmem:s30+$0x20A0]  }
0x1d: {  	v52 =	vld [tilespmem:s30+$0xB0];
	[tilespmem:s29+$0x40E0] =	vst v0  }
0x1e: {  	v54 =	vld [tilespmem:s30+$0x20B0]  }
0x1f: {  	v55 =	vld [tilespmem:s30+$0xC0]  }
0x20: {  	v57 =	vld [tilespmem:s30+$0x20C0]  }
0x21: {  	v59 =	vld [tilespmem:s30+$0xD0]  }
0x22: {  	v1 =	vsub.f32 v1, v7;
	v60 =	vld [tilespmem:s30+$0x20D0]  }
0x23: {  	v53 =	vsub.f32 v8, v49;
	v61 =	vld [tilespmem:s30+$0xE0]  }
0x24: {  	v9 =	vld [tilespmem:s30+$0x20E0];
	v1 =	vmul.f32 v1, v1;
	v56 =	vsub.f32 v50, v5  }
0x25: {  	v0 =	vmul.f32 v53, v53;
	v2 =	vsub.f32 v51, v2  }
0x26: {  	[tilespmem:s30+$0x40F0] =	vst v1;
	v58 =	vmul.f32 v56, v56;
	v62 =	vsub.f32 v52, v54  }
0x27: {  	[tilespmem:s30+$0x4080] =	vst v0;
	v3 =	vsub.f32 v55, v57;
	v2 =	vmul.f32 v2, v2  }
0x28: {  	v1 =	vsub.f32 v59, v60;
	[tilespmem:s30+$0x4090] =	vst v58;
	v4 =	vmul.f32 v62, v62  }
0x29: {  	v0 =	vsub.f32 v61, v9;
	v63 =	vmul.f32 v3, v3;
	[tilespmem:s30+$0x40A0] =	vst v2  }
0x2a: {  	v1 =	vmul.f32 v1, v1;
	[tilespmem:s30+$0x40B0] =	vst v4  }
0x2b: {  	v0 =	vmul.f32 v0, v0;
	[tilespmem:s30+$0x40C0] =	vst v63  }
0x2c: {  	[tilespmem:s30+$0x40D0] =	vst v1  }
0x2d: {  	s29 =	smov.u32 s3;
	[tilespmem:s30+$0x40E0] =	vst v0  }
.LBB2_8:
0x2e: {  	_ =	swait.ge [sflag:s25], $0x800  }
0x2f: {  	[sflag:s25] =	ssyncset.done $0x0  }
0x30: {  	[sflag:s25] =	ssyncadd.s32 $0xFFFFF800  }
0x31: {  	[bflag:$0x0] =	sbarrier.arrive $0xFFFF  }
0x32: {  	[spmem:s4] =	stream.indirect.scatter.add.f32 [tilespmem:s26], [sflag:$0x5], $0x80, s6, s19, $0xb8;
	[tilespmem:$0xBF00] =	vst v63  }
0x33: {  	_ =	swait.ge [sflag:s14], $0x2000  }
0x34: {  	s28 =	sadd.s32 $0x1, s28;
	[sflag:s14] =	ssyncset.done $0x0  }
0x35: {  	s29 =	sadd.s32 s29, s9;
	p1 =	sne.s32 s28, s13;
	[sflag:s14] =	ssyncadd.s32 $0xFFFFE000  }
.Ltmp1:
0x36: {  	s30 =	sor.u32 $0x1C05, s15;
	[bflag:$0x0] =	sbarrier.arrive $0xFFFF;
	(pc) =	sbr.rel @!p1 .LBB2_9-.Ltmp1, $4  }
0x37: {  	[hbm:s29], [sflag:s30] =	dma.local [spmem:s17], $0x800  }
0x38: {  	_ =	swait.ge [sflag:s14], $0x800  }
0x39: {  	[sflag:s14] =	ssyncset.done $0x0  }
0x3a: {  	[sflag:s14] =	ssyncadd.s32 $0xFFFFF800  }
.LBB2_1:
.Ltmp2:
0x3b: {  	(pc) =	sbr.rel @p0 .LBB2_5-.Ltmp2, $4  }
0x3c: {  	[tilespmem:s6], [sflag:$0x5] =	stream.linear.gather [hbm4b:s8+s6], $0x40, $0x38;
	[tilespmem:$0xBF00] =	vst v63  }
0x3d: {  	_ =	swait.ge [sflag:s14], $0x40  }
0x3e: {  	[sflag:s14] =	ssyncset.done $0x0  }
0x3f: {  	[sflag:s14] =	ssyncadd.s32 $0xFFFFFFC0  }
0x40: {  	[spmem:s17], [sflag:s16] =	dma.local [hbm:s12], $0x800  }
0x41: {  	s29 =	simm.s32 $0x0  }
0x42: {  	[tilespmem:s18], [sflag:$0x2] =	stream.linear.gather [hbm4b:s11+s29], $0x2000, $0x38;
	[tilespmem:$0xBF00] =	vst v63  }
0x43: {  	_ = 	snop  }
0x44: {  	[tilespmem:s20], [sflag:$0x3] =	stream.indirect.gather [hbm4b:s1+s19], $0x80, s29, s19, $0xb8;
	[tilespmem:$0xBF00] =	vst v63  }
0x45: {  	_ = 	snop  }
0x46: {  	[tilespmem:s21], [sflag:$0x4] =	stream.indirect.gather [hbm4b:s7+s19], $0x80, s29, s19, $0xb8;
	[tilespmem:$0xBF00] =	vst v63  }
0x47: {  	_ =	swait.ge [sflag:s22], $0x2000  }
0x48: {  	[sflag:s22] =	ssyncset.done $0x0  }
0x49: {  	[sflag:s22] =	ssyncadd.s32 $0xFFFFE000  }
0x4a: {  	_ =	swait.ge [sflag:s23], $0x2000  }
0x4b: {  	[sflag:s23] =	ssyncset.done $0x0  }
0x4c: {  	[sflag:s23] =	ssyncadd.s32 $0xFFFFE000  }
0x4d: {  	_ =	swait.ge [sflag:s24], $0x2000  }
0x4e: {  	[sflag:s24] =	ssyncset.done $0x0  }
0x4f: {  	s29 =	simm.s32 $0x0;
	[sflag:s24] =	ssyncadd.s32 $0xFFFFE000  }
0x50: {  	v1 =	vld [tilespmem:s29+$0xF0]  }
0x51: {  	v2 =	vld [tilespmem:s29+$0x20F0]  }
0x52: {  	v3 =	vld [tilespmem:s29+$0x80]  }
0x53: {  	v0 =	vld [tilespmem:s29+$0x6080]  }
0x54: {  	v4 =	vld [tilespmem:s29+$0x2080]  }
0x55: {  	v5 =	vld [tilespmem:s29+$0x90]  }
0x56: {  	v6 =	vld [tilespmem:s29+$0x2090]  }
0x57: {  	v7 =	vld [tilespmem:s29+$0x20A0]  }
0x58: {  	v1 =	vsub.f32 v1, v2;
	v2 =	vld [tilespmem:s29+$0xA0]  }
0x59: {  	v8 =	vld [tilespmem:s29+$0xB0]  }
0x5a: {  	v9 =	vld [tilespmem:s29+$0x20B0];
	v3 =	vsub.f32 v3, v4;
	v1 =	vmul.f32 v1, v0  }
0x5b: {  	v10 =	vld [tilespmem:s29+$0xC0]  }
0x5c: {  	v11 =	vld [tilespmem:s29+$0x20C0];
	[tilespmem:s29+$0x40F0] =	vst v1;
	v1 =	vmul.f32 v3, v0;
	v3 =	vsub.f32 v5, v6  }
0x5d: {  	v4 =	vld [tilespmem:s29+$0x20D0];
	v2 =	vsub.f32 v2, v7  }
0x5e: {  	[tilespmem:s29+$0x4080] =	vst v1;
	v1 =	vmul.f32 v3, v0;
	v3 =	vld [tilespmem:s29+$0xD0]  }
0x5f: {  	v5 =	vld [tilespmem:s29+$0x20E0];
	v7 =	vsub.f32 v8, v9;
	v6 =	vmul.f32 v2, v0  }
0x60: {  	s30 =	simm.s32 $0x80;
	[tilespmem:s29+$0x4090] =	vst v1;
	v1 =	vld [tilespmem:s29+$0xE0]  }
0x61: {  	s31 =	simm.s32 $0x400;
	v2 =	vld [tilespmem:s30+$0xF0];
	[tilespmem:s29+$0x40A0] =	vst v6;
	v6 =	vmul.f32 v7, v0;
	v7 =	vsub.f32 v10, v11  }
.LBB2_3:
0x62: {  	p1 =	seq.s32 s31, $0x7E00;
	v8 =	vld [tilespmem:s30+$0x20F0]  }
0x63: {  	v9 =	vld [tilespmem:s30+$0x80];
	[tilespmem:s29+$0x40B0] =	vst v6;
	v6 =	vmul.f32 v7, v0;
	v3 =	vsub.f32 v3, v4  }
0x64: {  	v4 =	vld [tilespmem:s30+$0x6080]  }
0x65: {  	v7 =	vld [tilespmem:s30+$0x2080];
	[tilespmem:s29+$0x40C0] =	vst v6;
	v3 =	vmul.f32 v3, v0;
	v1 =	vsub.f32 v1, v5  }
0x66: {  	v5 =	vld [tilespmem:s30+$0x90]  }
0x67: {  	v6 =	vld [tilespmem:s30+$0x2090];
	v2 =	vsub.f32 v2, v8;
	[tilespmem:s29+$0x40D0] =	vst v3;
	v8 =	vmul.f32 v1, v0  }
0x68: {  	v1 =	vld [tilespmem:s30+$0xA0]  }
0x69: {  	v3 =	vld [tilespmem:s30+$0x20A0];
	v2 =	vmul.f32 v2, v4;
	[tilespmem:s29+$0x40E0] =	vst v8;
	v0 =	vmov v4;
	s29 =	smov.u32 s30  }
0x6a: {  	v4 =	vsub.f32 v9, v7;
	v7 =	vld [tilespmem:s29+$0xB0]  }
0x6b: {  	v8 =	vld [tilespmem:s29+$0x20B0];
	[tilespmem:s29+$0x40F0] =	vst v2  }
0x6c: {  	v2 =	vmul.f32 v4, v0;
	v4 =	vsub.f32 v5, v6;
	v9 =	vld [tilespmem:s29+$0xC0]  }
0x6d: {  	v10 =	vld [tilespmem:s29+$0x20C0]  }
.Ltmp3:
0x6e: {  	[tilespmem:s29+$0x4080] =	vst v2;
	v2 =	vmul.f32 v4, v0;
	v1 =	vsub.f32 v1, v3;
	v3 =	vld [tilespmem:s29+$0xD0];
	(pc) =	sbr.rel @!p1 .LBB2_3-.Ltmp3, $4  }
0x6f: {  	v4 =	vld [tilespmem:s29+$0x20D0]  }
0x70: {  	[tilespmem:s29+$0x4090] =	vst v2;
	v6 =	vmul.f32 v1, v0;
	v7 =	vsub.f32 v7, v8;
	v1 =	vld [tilespmem:s29+$0xE0]  }
0x71: {  	s30 =	sshra.s32 s31, $0x2;
	v5 =	vld [tilespmem:s29+$0x20E0]  }
0x72: {  	s31 =	sadd.s32 $0x200, s31;
	v2 =	vld [tilespmem:s30+$0xF0];
	[tilespmem:s29+$0x40A0] =	vst v6;
	v6 =	vmul.f32 v7, v0;
	v7 =	vsub.f32 v9, v10  }
0x73: {  	v8 =	vld [tilespmem:s30+$0x20F0]  }
0x74: {  	v9 =	vld [tilespmem:s30+$0x80];
	[tilespmem:s29+$0x40B0] =	vst v6;
	v44 =	vmul.f32 v7, v0;
	v3 =	vsub.f32 v3, v4  }
0x75: {  	v45 =	vld [tilespmem:s30+$0x6080]  }
0x76: {  	v46 =	vld [tilespmem:s30+$0x2080];
	[tilespmem:s29+$0x40C0] =	vst v44;
	v3 =	vmul.f32 v3, v0;
	v1 =	vsub.f32 v1, v5  }
0x77: {  	v6 =	vld [tilespmem:s30+$0x90]  }
0x78: {  	v47 =	vld [tilespmem:s30+$0x2090];
	[tilespmem:s29+$0x40D0] =	vst v3;
	v48 =	vmul.f32 v1, v0  }
0x79: {  	v49 =	vld [tilespmem:s30+$0xA0]  }
0x7a: {  	v3 =	vld [tilespmem:s30+$0x20A0];
	[tilespmem:s29+$0x40E0] =	vst v48  }
0x7b: {  	v51 =	vld [tilespmem:s30+$0xB0]  }
0x7c: {  	v52 =	vld [tilespmem:s30+$0x20B0]  }
0x7d: {  	v54 =	vld [tilespmem:s30+$0xC0]  }
0x7e: {  	v55 =	vld [tilespmem:s30+$0x20C0]  }
0x7f: {  	v57 =	vld [tilespmem:s30+$0xD0]  }
0x80: {  	v2 =	vsub.f32 v2, v8;
	v58 =	vld [tilespmem:s30+$0x20D0]  }
0x81: {  	v4 =	vsub.f32 v9, v46;
	v59 =	vld [tilespmem:s30+$0xE0]  }
0x82: {  	v50 =	vmul.f32 v2, v45;
	v10 =	vld [tilespmem:s30+$0x20E0];
	v5 =	vsub.f32 v6, v47  }
0x83: {  	v53 =	vmul.f32 v4, v45;
	v1 =	vsub.f32 v49, v3  }
0x84: {  	[tilespmem:s30+$0x40F0] =	vst v50;
	v56 =	vmul.f32 v5, v45;
	v2 =	vsub.f32 v51, v52  }
0x85: {  	[tilespmem:s30+$0x4080] =	vst v53;
	v1 =	vmul.f32 v1, v45;
	v60 =	vsub.f32 v54, v55  }
0x86: {  	[tilespmem:s30+$0x4090] =	vst v56;
	v61 =	vsub.f32 v57, v58;
	v2 =	vmul.f32 v2, v45  }
.Ltmp4:
0x87: {  	v0 =	vsub.f32 v59, v10;
	[tilespmem:s30+$0x40A0] =	vst v1;
	v62 =	vmul.f32 v60, v45;
	(pc) =	sbr.rel .LBB2_8-.Ltmp4, $4  }
0x88: {  	v63 =	vmul.f32 v61, v45;
	[tilespmem:s30+$0x40B0] =	vst v2  }
0x89: {  	v0 =	vmul.f32 v0, v45;
	[tilespmem:s30+$0x40C0] =	vst v62  }
0x8a: {  	[tilespmem:s30+$0x40D0] =	vst v63  }
0x8b: {  	s29 =	smov.u32 s2;
	[tilespmem:s30+$0x40E0] =	vst v0  }
.LBB2_5:
0x8c: {  	[spmem:s17], [sflag:s16] =	dma.local [hbm:s10], $0x800  }
0x8d: {  	s29 =	simm.s32 $0x0  }
0x8e: {  	[tilespmem:s18], [sflag:$0x2] =	stream.linear.gather [hbm4b:s11+s29], $0x2000, $0x38;
	[tilespmem:$0xBF00] =	vst v63  }
0x8f: {  	_ = 	snop  }
0x90: {  	[tilespmem:s20], [sflag:$0x3] =	stream.indirect.gather [hbm4b:s1+s19], $0x80, s29, s19, $0xb8;
	[tilespmem:$0xBF00] =	vst v63  }
0x91: {  	_ =	swait.ge [sflag:s22], $0x2000  }
0x92: {  	[sflag:s22] =	ssyncset.done $0x0  }
0x93: {  	[sflag:s22] =	ssyncadd.s32 $0xFFFFE000  }
0x94: {  	_ =	swait.ge [sflag:s23], $0x2000  }
0x95: {  	[sflag:s23] =	ssyncset.done $0x0  }
0x96: {  	s29 =	simm.s32 $0x0;
	[sflag:s23] =	ssyncadd.s32 $0xFFFFE000  }
0x97: {  	v0 =	vld [tilespmem:s29+$0xF0]  }
0x98: {  	v1 =	vld [tilespmem:s29+$0x20F0]  }
0x99: {  	v2 =	vld [tilespmem:s29+$0x80]  }
0x9a: {  	v3 =	vld [tilespmem:s29+$0x2080]  }
0x9b: {  	v4 =	vld [tilespmem:s29+$0x90]  }
0x9c: {  	v5 =	vld [tilespmem:s29+$0x2090]  }
0x9d: {  	v6 =	vld [tilespmem:s29+$0xA0]  }
0x9e: {  	v0 =	vsub.f32 v0, v1;
	v1 =	vld [tilespmem:s29+$0x20A0]  }
0x9f: {  	v7 =	vld [tilespmem:s29+$0xB0]  }
0xa0: {  	v8 =	vld [tilespmem:s29+$0x20B0];
	v2 =	vsub.f32 v2, v3;
	v0 =	vmul.f32 v0, v0  }
0xa1: {  	v9 =	vld [tilespmem:s29+$0xC0]  }
0xa2: {  	v10 =	vld [tilespmem:s29+$0x20C0];
	v2 =	vmul.f32 v2, v2;
	[tilespmem:s29+$0x40F0] =	vst v0;
	v0 =	vsub.f32 v4, v5  }
0xa3: {  	v3 =	vld [tilespmem:s29+$0x20D0];
	v1 =	vsub.f32 v6, v1  }
0xa4: {  	[tilespmem:s29+$0x4080] =	vst v2;
	v2 =	vld [tilespmem:s29+$0xD0];
	v0 =	vmul.f32 v0, v0  }
0xa5: {  	v4 =	vld [tilespmem:s29+$0x20E0];
	v6 =	vsub.f32 v7, v8;
	v5 =	vmul.f32 v1, v1  }
0xa6: {  	s30 =	simm.s32 $0x80;
	[tilespmem:s29+$0x4090] =	vst v0;
	v0 =	vld [tilespmem:s29+$0xE0]  }
0xa7: {  	s31 =	simm.s32 $0x400;
	v1 =	vld [tilespmem:s30+$0xF0];
	[tilespmem:s29+$0x40A0] =	vst v5;
	v5 =	vmul.f32 v6, v6;
	v6 =	vsub.f32 v9, v10  }
.LBB2_6:
0xa8: {  	p1 =	sne.s32 s31, $0x7E00;
	v7 =	vld [tilespmem:s30+$0x20F0]  }
0xa9: {  	v2 =	vsub.f32 v2, v3;
	v8 =	vld [tilespmem:s30+$0x80];
	[tilespmem:s29+$0x40B0] =	vst v5;
	v5 =	vmul.f32 v6, v6  }
0xaa: {  	v3 =	vld [tilespmem:s30+$0x2080]  }
0xab: {  	v0 =	vsub.f32 v0, v4;
	v2 =	vmul.f32 v2, v2;
	v6 =	vld [tilespmem:s30+$0x90];
	[tilespmem:s29+$0x40C0] =	vst v5  }
0xac: {  	v4 =	vld [tilespmem:s30+$0x2090]  }
0xad: {  	v0 =	vmul.f32 v0, v0;
	v5 =	vld [tilespmem:s30+$0xA0];
	v1 =	vsub.f32 v1, v7;
	[tilespmem:s29+$0x40D0] =	vst v2  }
0xae: {  	v2 =	vld [tilespmem:s30+$0x20A0]  }
0xaf: {  	v3 =	vsub.f32 v8, v3;
	v7 =	vld [tilespmem:s30+$0xB0];
	v1 =	vmul.f32 v1, v1;
	[tilespmem:s29+$0x40E0] =	vst v0;
	s29 =	smov.u32 s30  }
0xb0: {  	v0 =	vld [tilespmem:s29+$0x20B0]  }
0xb1: {  	v3 =	vmul.f32 v3, v3;
	v4 =	vsub.f32 v6, v4;
	v6 =	vld [tilespmem:s29+$0xC0];
	[tilespmem:s29+$0x40F0] =	vst v1  }
0xb2: {  	v8 =	vld [tilespmem:s29+$0x20C0]  }
.Ltmp5:
0xb3: {  	[tilespmem:s29+$0x4080] =	vst v3;
	v1 =	vmul.f32 v4, v4;
	v4 =	vsub.f32 v5, v2;
	v2 =	vld [tilespmem:s29+$0xD0];
	(pc) =	sbr.rel @p1 .LBB2_6-.Ltmp5, $4  }
0xb4: {  	v3 =	vld [tilespmem:s29+$0x20D0]  }
0xb5: {  	[tilespmem:s29+$0x4090] =	vst v1;
	v5 =	vmul.f32 v4, v4;
	v7 =	vsub.f32 v7, v0;
	v0 =	vld [tilespmem:s29+$0xE0]  }
0xb6: {  	s30 =	sshra.s32 s31, $0x2;
	v4 =	vld [tilespmem:s29+$0x20E0]  }
0xb7: {  	s31 =	sadd.s32 $0x200, s31;
	v1 =	vld [tilespmem:s30+$0xF0];
	[tilespmem:s29+$0x40A0] =	vst v5;
	v5 =	vmul.f32 v7, v7;
	v6 =	vsub.f32 v6, v8  }
.Ltmp6:
0xb8: {  	_ = 	snop;
	(pc) =	sbr.rel .LBB2_7-.Ltmp6, $1  }
0xb9: {  	_ =	sdelay $0x3  }
.LBB2_9:
0xba: {  	_ =	sfence.sel $0x180000  }
0xbb: {  	[bflag:$0x0] =	sbarrier.arrive $0xFFFF  }
0xbc: {  	p0 =	sne.s32 s5, $0x0;
	_ =	strace $0x90000047  }
0xbd: {  	s0 =	sadd.s32 @!p0 $0x100000, s0;
	[bflag:$0x2] =	sbarrier.arrive $0xFFFF  }
0xbe: {  	[sflag:s0] =	ssyncadd.tile.s32 @!p0 $0x1;
	_ =	shalt  }
.Lfunc_end2:
_tile_overlayer_lowered:
.L_overlay_start_2:
0xbf: {  	(tag) =	ssettag $0x2  }
0xc0: {  	s0 =	rddreg [dreg:$0x0];
	s2 =	stileid.u32  }
0xc1: {  	s1 =	rddreg [dreg:$0x1];
	p0 =	sne.s32 s2, $0x0  }
0xc2: {  	s3 =	rddreg [dreg:$0x2];
	[bflag:$0x3] =	sbarrier.arrive $0xFFFF;
	s2 =	simm.s32 @!p0 $0x1C05  }
0xc3: {  	[timem:s3], [sflag:s2] =	dma.local @!p0 [hbm:s0], s1  }
0xc4: {  	s0 =	simm.s32 @!p0 $0x5  }
0xc5: {  	_ =	swait.ge @!p0 [sflag:s0], s1  }
0xc6: {  	s1 =	ssub.s32 @!p0 $0x0, s1;
	[sflag:s0] =	ssyncset.done @!p0 $0x0  }
0xc7: {  	[sflag:s0] =	ssyncadd.s32 @!p0 s1  }
0xc8: {  	[bflag:$0x3] =	sbarrier.arrive $0xFFFF  }
0xc9: {  	_ =	shalt  }

</sc_bundles>
